<compile_context>
chip_gen: v7x
topology: tpu7x:2x2x1
jax: 0.10.2.dev20260603
libtpu: 0.0.44.dev20260713+nightly
codegen_flags: <defaults>
</compile_context>

<pallas_src>
import functools

import jax
import jax.numpy as jnp
from jax import lax
from jax.experimental import pallas as pl
from jax.experimental.pallas import tpu as pltpu
from jax.experimental.pallas import tpu_sc as plsc

K = 32
M = 128
T = 32
TILE = 2048
SEG = 32
NT_PAD = 32
NEG_INF = float("-inf")
IMAX = (1 << 31) - 1


def _tc1_body(nv1_ref, nv2_ref, emb_ref, logits_ref, seg_ref, sm_ref, *,
              n_valid, nt_total):
    nt = pl.program_id(1)
    nv3 = jnp.concatenate([nv1_ref[0], nv2_ref[0]], axis=1)
    logits = lax.dot_general(emb_ref[...], nv3, (((1,), (1,)), ((), ())),
                             preferred_element_type=jnp.float32)
    n_glob = nt * TILE + lax.broadcasted_iota(jnp.int32, (M, TILE), 1)
    logits = jnp.where(n_glob < n_valid, logits, NEG_INF)
    logits_ref[0, 0] = logits

    @pl.when(nt == 0)
    def _init():
        sm_ref[...] = jnp.full((NT_PAD, M, TILE // SEG), NEG_INF, jnp.float32)

    sm_ref[nt] = jnp.max(logits.reshape(M, TILE // SEG, SEG), axis=2)

    @pl.when(nt == nt_total - 1)
    def _select_segments():
        spt = TILE // SEG
        v = sm_ref[...]
        seg_iota = (lax.broadcasted_iota(jnp.int32, (NT_PAD, M, spt), 0) * spt
                    + lax.broadcasted_iota(jnp.int32, (NT_PAD, M, spt), 2))
        rank = lax.broadcasted_iota(jnp.int32, (M, K), 1)

        def ext(k, carry):
            v, out_s = carry
            m1 = jnp.max(jnp.max(v, axis=2, keepdims=True), axis=0,
                         keepdims=True)
            sid = jnp.where(v == m1, seg_iota, IMAX)
            i1 = jnp.min(jnp.min(sid, axis=2, keepdims=True), axis=0,
                         keepdims=True)
            v = jnp.where(seg_iota == i1, NEG_INF, v)
            out_s = jnp.where(rank == k, i1[0], out_s)
            return v, out_s

        _, out_s = lax.fori_loop(0, K, ext, (v, jnp.zeros((M, K), jnp.int32)))
        seg_ref[0] = out_s


def _tc1(nv1, nv2, emb, n_valid):
    b, n, t = nv1.shape
    nt_total = (n + TILE - 1) // TILE
    n_pad = nt_total * TILE
    return pl.pallas_call(
        functools.partial(_tc1_body, n_valid=n_valid, nt_total=nt_total),
        grid=(b, nt_total),
        in_specs=[
            pl.BlockSpec((1, TILE, t), lambda bi, ni: (bi, ni, 0)),
            pl.BlockSpec((1, TILE, t), lambda bi, ni: (bi, ni, 0)),
            pl.BlockSpec((M, 2 * t), lambda bi, ni: (0, 0)),
        ],
        out_specs=[
            pl.BlockSpec((1, 1, M, TILE), lambda bi, ni: (bi, ni, 0, 0)),
            pl.BlockSpec((1, M, K), lambda bi, ni: (bi, 0, 0)),
        ],
        out_shape=[
            jax.ShapeDtypeStruct((b, nt_total, M, TILE), jnp.float32),
            jax.ShapeDtypeStruct((b, M, K), jnp.int32),
        ],
        scratch_shapes=[
            pltpu.VMEM((NT_PAD, M, TILE // SEG), jnp.float32),
        ],
    )(nv1, nv2, emb)


def _tc2_body(cv_ref, cn_ref, out_ref):
    v = cv_ref[0]
    n = cn_ref[0]
    rank = lax.broadcasted_iota(jnp.int32, (M, K), 1)

    def ext(k, carry):
        v, out_i = carry
        m1 = jnp.max(v, axis=1, keepdims=True)
        i1 = jnp.min(jnp.where(v == m1, n, IMAX), axis=1, keepdims=True)
        v = jnp.where(n == i1, NEG_INF, v)
        out_i = jnp.where(rank == k, i1, out_i)
        return v, out_i

    _, out_i = lax.fori_loop(0, K, ext,
                             (v, jnp.zeros((M, K), jnp.int32)))
    out_ref[0] = out_i


def _tc2(cand_v, cand_n):
    b = cand_v.shape[0]
    nc = cand_v.shape[2]
    return pl.pallas_call(
        _tc2_body,
        grid=(b,),
        in_specs=[
            pl.BlockSpec((1, M, nc), lambda bi: (bi, 0, 0)),
            pl.BlockSpec((1, M, nc), lambda bi: (bi, 0, 0)),
        ],
        out_specs=pl.BlockSpec((1, M, K), lambda bi: (bi, 0, 0)),
        out_shape=jax.ShapeDtypeStruct((b, M, K), jnp.int32),
    )(cand_v, cand_n)


def _sc_gather1(table, flat_idx):
    num_rows, d = table.shape
    num_idx = flat_idx.shape[0]
    info = plsc.get_sparse_core_info()
    nw = info.num_cores * info.num_subcores
    per_w = num_idx // nw
    mesh = plsc.VectorSubcoreMesh(core_axis_name="c", subcore_axis_name="s")

    @functools.partial(
        pl.kernel, mesh=mesh,
        compiler_params=pltpu.CompilerParams(use_tc_tiling_on_sc=False),
        out_type=jax.ShapeDtypeStruct((num_idx, d), jnp.float32),
        scratch_types=[
            pltpu.VMEM((per_w,), jnp.int32),
            pltpu.VMEM((per_w, d), jnp.float32),
            pltpu.SemaphoreType.DMA,
        ],
    )
    def gk(t_hbm, idx_hbm, o_hbm, idx_v, r_v, sem):
        wid = lax.axis_index("s") * info.num_cores + lax.axis_index("c")
        base = wid * per_w
        pltpu.sync_copy(idx_hbm.at[pl.ds(base, per_w)], idx_v)
        pltpu.async_copy(t_hbm.at[idx_v], r_v, sem).wait()
        pltpu.sync_copy(r_v, o_hbm.at[pl.ds(base, per_w)])

    return gk(table, flat_idx)


def _sc_gather2(table1, table2, flat_idx):
    num_rows, d = table1.shape
    num_idx = flat_idx.shape[0]
    info = plsc.get_sparse_core_info()
    nw = info.num_cores * info.num_subcores
    per_w = num_idx // nw
    mesh = plsc.VectorSubcoreMesh(core_axis_name="c", subcore_axis_name="s")

    @functools.partial(
        pl.kernel, mesh=mesh,
        compiler_params=pltpu.CompilerParams(use_tc_tiling_on_sc=False),
        out_type=(jax.ShapeDtypeStruct((num_idx, d), jnp.float32),
                  jax.ShapeDtypeStruct((num_idx, d), jnp.float32)),
        scratch_types=[
            pltpu.VMEM((per_w,), jnp.int32),
            pltpu.VMEM((per_w, d), jnp.float32),
            pltpu.VMEM((per_w, d), jnp.float32),
            pltpu.SemaphoreType.DMA,
        ],
    )
    def gk(t1_hbm, t2_hbm, idx_hbm, o1_hbm, o2_hbm, idx_v, r1_v, r2_v, sem):
        wid = lax.axis_index("s") * info.num_cores + lax.axis_index("c")
        base = wid * per_w
        pltpu.sync_copy(idx_hbm.at[pl.ds(base, per_w)], idx_v)
        pltpu.async_copy(t1_hbm.at[idx_v], r1_v, sem).wait()
        pltpu.async_copy(t2_hbm.at[idx_v], r2_v, sem).wait()
        pltpu.sync_copy(r1_v, o1_hbm.at[pl.ds(base, per_w)])
        pltpu.sync_copy(r2_v, o2_hbm.at[pl.ds(base, per_w)])

    return gk(table1, table2, flat_idx)


def kernel(nodevec1, nodevec2, node_embeddings):
    b, n, t = nodevec1.shape
    n_pad = ((n + TILE - 1) // TILE) * TILE
    segs_per_row = n_pad // SEG

    logits, seg = _tc1(nodevec1, nodevec2, node_embeddings, n)

    spt = TILE // SEG
    nt_total = n_pad // TILE
    b_idx = jnp.arange(b, dtype=jnp.int32)[:, None, None]
    m_idx = jnp.arange(M, dtype=jnp.int32)[None, :, None]
    flat_seg = (((b_idx * nt_total + seg // spt) * M + m_idx) * spt
                + seg % spt).reshape(-1)
    cand = _sc_gather1(logits.reshape(b * M * segs_per_row, SEG), flat_seg)
    cand_v = cand.reshape(b, M, K * SEG)
    cand_n = (seg[..., None] * SEG
              + jnp.arange(SEG, dtype=jnp.int32)).reshape(b, M, K * SEG)

    indices = _tc2(cand_v, cand_n)

    flat_idx = (indices + jnp.arange(b, dtype=jnp.int32)[:, None, None] * n
                ).reshape(-1)
    f1, f2 = _sc_gather2(nodevec1.reshape(b * n, t),
                         nodevec2.reshape(b * n, t), flat_idx)
    sel1 = f1.reshape(b, M, K, t)
    sel2 = f2.reshape(b, M, K, t)
    batch_indices = jnp.broadcast_to(
        jnp.arange(b, dtype=jnp.int32)[:, None, None], (b, M, K))
    return sel1, sel2, batch_indices, indices

# --- scband reference (transcript-rebuilt; emitter-appended) ---
"""Pipeline reference for scband-nodeselection-89730456748789 (READ-ONLY COPY).

The authoritative reference and input builder live on the scoring server;
editing this copy changes nothing except your own understanding.
"""

import jax, jax.numpy as jnp
import numpy as np

K = 32
MEMORY_NODE = 128
TIME_DIM = 32
B = 4
N = 50000

def setup_inputs(seed: int = 0) -> dict:
    key = jax.random.key(seed)
    k1, k2, k3 = jax.random.split(key, 3)
    nodevec1 = jax.random.normal(k1, (B, N, TIME_DIM), dtype=jnp.float32)
    nodevec2 = jax.random.normal(k2, (B, N, TIME_DIM), dtype=jnp.float32)
    node_embeddings = jax.random.normal(k3, (MEMORY_NODE, 2 * TIME_DIM), dtype=jnp.float32)
    return {"nodevec1": nodevec1, "nodevec2": nodevec2, "node_embeddings": node_embeddings}

def reference(nodevec1, nodevec2, node_embeddings):
    # nodevec1, nodevec2: [B, N, time_dim]
    nodevec3 = jnp.concatenate((nodevec1, nodevec2), axis=-1)  # [B, N, 2*time_dim]
    # [memory_node, 2*time_dim] @ [B, 2*time_dim, N] -> [B, memory_node, N]
    logits = jnp.matmul(node_embeddings, jnp.swapaxes(nodevec3, -2, -1))
    supports2 = jax.nn.softmax(logits, axis=-1)
    values, indices = jax.lax.top_k(supports2, K)  # [B, memory_node, K]
    batch_indices = jnp.broadcast_to(
        jnp.arange(nodevec1.shape[0])[:, None, None],
        (nodevec1.shape[0], indices.shape[1], indices.shape[2]),
    )
    selected_nodes_features1 = nodevec1[batch_indices, indices]  # [B, memory_node, K, time_dim]
    selected_nodes_features2 = nodevec2[batch_indices, indices]
    return (selected_nodes_features1, selected_nodes_features2, batch_indices, indices)

if __name__ == "__main__":
    import jax
    _d = setup_inputs()
    print(jax.jit(kernel)(*tuple(_d.values())))

</pallas_src>

<mosaic_0001>
#map = affine_map<(d0, d1) -> (0, 0)>
#map1 = affine_map<(d0, d1) -> (0)>
module attributes {stable_mosaic.version = 14 : i64} {
  func.func @gk(%arg0: i32, %arg1: i32, %arg2: memref<819200x32xf32, #tpu.memory_space<hbm>>, %arg3: memref<16384xi32, #tpu.memory_space<hbm>>, %arg4: memref<16384x32xf32, #tpu.memory_space<hbm>>, %arg5: memref<512xi32, #tpu.memory_space<vmem>>, %arg6: memref<512x32xf32, #tpu.memory_space<vmem>>, %arg7: memref<!tpu.dma_semaphore, #tpu.memory_space<semaphore_mem>>) attributes {dimension_semantics = [#tpu.dimension_semantics<core_parallel>, #tpu.dimension_semantics<subcore_parallel>], iteration_bounds = array<i64: 2, 16>, scalar_prefetch = 0 : i64, scratch_operands = 3 : i64, tpu.core_type = #tpu.core_type<sc_vector_subcore>, window_params = [{transform_indices = #map}, {transform_indices = #map1}, {transform_indices = #map}]} {
    %mul3A = arith.constant 2 : i32
    %mul3A_0 = arith.muli %arg1, %mul3A : i32
    %add3A = arith.addi %mul3A_0, %arg0 : i32
    %mul3A_1 = arith.constant 512 : i32
    %mul3A_2 = arith.muli %add3A, %mul3A_1 : i32
    "tpu.region"() ({
      %run_scoped3A = tpu.sem_alloc : memref<!tpu.dma_semaphore, #tpu.memory_space<semaphore_mem>>
      %dma_start3A_7 = tpu.memref_slice %arg3[%mul3A_2] : memref<16384xi32, #tpu.memory_space<hbm>> -> memref<512xi32, #tpu.memory_space<hbm>>
      %dma_start3A_8 = tpu.memref_slice %arg3[%mul3A_2] : memref<16384xi32, #tpu.memory_space<hbm>> -> memref<512xi32, #tpu.memory_space<hbm>>
      tpu.enqueue_dma source(%dma_start3A_8 : memref<512xi32, #tpu.memory_space<hbm>>) target(%arg5 : memref<512xi32, #tpu.memory_space<vmem>>) target_semaphore(%run_scoped3A : memref<!tpu.dma_semaphore, #tpu.memory_space<semaphore_mem>>)
      %dma_wait3A_9 = tpu.memref_slice %arg3[%mul3A_2] : memref<16384xi32, #tpu.memory_space<hbm>> -> memref<512xi32, #tpu.memory_space<hbm>>
      %dma_wait3A_10 = tpu.memref_slice %arg3[%mul3A_2] : memref<16384xi32, #tpu.memory_space<hbm>> -> memref<512xi32, #tpu.memory_space<hbm>>
      tpu.wait_dma2 semaphore(%run_scoped3A : memref<!tpu.dma_semaphore, #tpu.memory_space<semaphore_mem>>) src(%dma_wait3A_10 : memref<512xi32, #tpu.memory_space<hbm>>) dst(%arg5 : memref<512xi32, #tpu.memory_space<vmem>>)
      tpu.yield
    }) : () -> ()
    %dma_start3A = arith.constant 0 : i32
    %dma_start3A_3 = arith.constant 0 : i32
    %dma_start3A_4 = tpu.memref_slice %arg2[%dma_start3A, %dma_start3A_3] : memref<819200x32xf32, #tpu.memory_space<hbm>> -> memref<819200x32xf32, #tpu.memory_space<hbm>>
    tpu.enqueue_indirect_dma source(%dma_start3A_4 : memref<819200x32xf32, #tpu.memory_space<hbm>>) target(%arg6 : memref<512x32xf32, #tpu.memory_space<vmem>>) offsets(%arg5 : memref<512xi32, #tpu.memory_space<vmem>>) semaphore(%arg7 : memref<!tpu.dma_semaphore, #tpu.memory_space<semaphore_mem>>)
    %dma_wait3A = arith.constant 0 : i32
    %dma_wait3A_5 = arith.constant 0 : i32
    %dma_wait3A_6 = tpu.memref_slice %arg2[%dma_wait3A, %dma_wait3A_5] : memref<819200x32xf32, #tpu.memory_space<hbm>> -> memref<819200x32xf32, #tpu.memory_space<hbm>>
    tpu.wait_indirect_dma semaphore(%arg7 : memref<!tpu.dma_semaphore, #tpu.memory_space<semaphore_mem>>) src(%dma_wait3A_6 : memref<819200x32xf32, #tpu.memory_space<hbm>>) dst(%arg6 : memref<512x32xf32, #tpu.memory_space<vmem>>)
    "tpu.region"() ({
      %run_scoped3A = tpu.sem_alloc : memref<!tpu.dma_semaphore, #tpu.memory_space<semaphore_mem>>
      %dma_start3A_7 = arith.constant 0 : i32
      %dma_start3A_8 = tpu.memref_slice %arg4[%mul3A_2, %dma_start3A_7] : memref<16384x32xf32, #tpu.memory_space<hbm>> -> memref<512x32xf32, #tpu.memory_space<hbm>>
      %dma_start3A_9 = arith.constant 0 : i32
      %dma_start3A_10 = tpu.memref_slice %arg4[%mul3A_2, %dma_start3A_9] : memref<16384x32xf32, #tpu.memory_space<hbm>> -> memref<512x32xf32, #tpu.memory_space<hbm>>
      tpu.enqueue_dma source(%arg6 : memref<512x32xf32, #tpu.memory_space<vmem>>) target(%dma_start3A_10 : memref<512x32xf32, #tpu.memory_space<hbm>>) target_semaphore(%run_scoped3A : memref<!tpu.dma_semaphore, #tpu.memory_space<semaphore_mem>>)
      %dma_wait3A_11 = arith.constant 0 : i32
      %dma_wait3A_12 = tpu.memref_slice %arg4[%mul3A_2, %dma_wait3A_11] : memref<16384x32xf32, #tpu.memory_space<hbm>> -> memref<512x32xf32, #tpu.memory_space<hbm>>
      %dma_wait3A_13 = arith.constant 0 : i32
      %dma_wait3A_14 = tpu.memref_slice %arg4[%mul3A_2, %dma_wait3A_13] : memref<16384x32xf32, #tpu.memory_space<hbm>> -> memref<512x32xf32, #tpu.memory_space<hbm>>
      tpu.wait_dma2 semaphore(%run_scoped3A : memref<!tpu.dma_semaphore, #tpu.memory_space<semaphore_mem>>) src(%arg6 : memref<512x32xf32, #tpu.memory_space<vmem>>) dst(%dma_wait3A_14 : memref<512x32xf32, #tpu.memory_space<hbm>>)
      tpu.yield
    }) : () -> ()
    return
  }
}

#map = affine_map<(d0, d1) -> (0, 0)>
#map1 = affine_map<(d0, d1) -> (0)>
module attributes {stable_mosaic.version = 14 : i64} {
  func.func @gk(%arg0: i32, %arg1: i32, %arg2: memref<200000x32xf32, #tpu.memory_space<hbm>>, %arg3: memref<200000x32xf32, #tpu.memory_space<hbm>>, %arg4: memref<16384xi32, #tpu.memory_space<hbm>>, %arg5: memref<16384x32xf32, #tpu.memory_space<hbm>>, %arg6: memref<16384x32xf32, #tpu.memory_space<hbm>>, %arg7: memref<512xi32, #tpu.memory_space<vmem>>, %arg8: memref<512x32xf32, #tpu.memory_space<vmem>>, %arg9: memref<512x32xf32, #tpu.memory_space<vmem>>, %arg10: memref<!tpu.dma_semaphore, #tpu.memory_space<semaphore_mem>>) attributes {dimension_semantics = [#tpu.dimension_semantics<core_parallel>, #tpu.dimension_semantics<subcore_parallel>], iteration_bounds = array<i64: 2, 16>, scalar_prefetch = 0 : i64, scratch_operands = 4 : i64, tpu.core_type = #tpu.core_type<sc_vector_subcore>, window_params = [{transform_indices = #map}, {transform_indices = #map}, {transform_indices = #map1}, {transform_indices = #map}, {transform_indices = #map}]} {
    %mul3A = arith.constant 2 : i32
    %mul3A_0 = arith.muli %arg1, %mul3A : i32
    %add3A = arith.addi %mul3A_0, %arg0 : i32
    %mul3A_1 = arith.constant 512 : i32
    %mul3A_2 = arith.muli %add3A, %mul3A_1 : i32
    "tpu.region"() ({
      %run_scoped3A = tpu.sem_alloc : memref<!tpu.dma_semaphore, #tpu.memory_space<semaphore_mem>>
      %dma_start3A_13 = tpu.memref_slice %arg4[%mul3A_2] : memref<16384xi32, #tpu.memory_space<hbm>> -> memref<512xi32, #tpu.memory_space<hbm>>
      %dma_start3A_14 = tpu.memref_slice %arg4[%mul3A_2] : memref<16384xi32, #tpu.memory_space<hbm>> -> memref<512xi32, #tpu.memory_space<hbm>>
      tpu.enqueue_dma source(%dma_start3A_14 : memref<512xi32, #tpu.memory_space<hbm>>) target(%arg7 : memref<512xi32, #tpu.memory_space<vmem>>) target_semaphore(%run_scoped3A : memref<!tpu.dma_semaphore, #tpu.memory_space<semaphore_mem>>)
      %dma_wait3A_15 = tpu.memref_slice %arg4[%mul3A_2] : memref<16384xi32, #tpu.memory_space<hbm>> -> memref<512xi32, #tpu.memory_space<hbm>>
      %dma_wait3A_16 = tpu.memref_slice %arg4[%mul3A_2] : memref<16384xi32, #tpu.memory_space<hbm>> -> memref<512xi32, #tpu.memory_space<hbm>>
      tpu.wait_dma2 semaphore(%run_scoped3A : memref<!tpu.dma_semaphore, #tpu.memory_space<semaphore_mem>>) src(%dma_wait3A_16 : memref<512xi32, #tpu.memory_space<hbm>>) dst(%arg7 : memref<512xi32, #tpu.memory_space<vmem>>)
      tpu.yield
    }) : () -> ()
    %dma_start3A = arith.constant 0 : i32
    %dma_start3A_3 = arith.constant 0 : i32
    %dma_start3A_4 = tpu.memref_slice %arg2[%dma_start3A, %dma_start3A_3] : memref<200000x32xf32, #tpu.memory_space<hbm>> -> memref<200000x32xf32, #tpu.memory_space<hbm>>
    tpu.enqueue_indirect_dma source(%dma_start3A_4 : memref<200000x32xf32, #tpu.memory_space<hbm>>) target(%arg8 : memref<512x32xf32, #tpu.memory_space<vmem>>) offsets(%arg7 : memref<512xi32, #tpu.memory_space<vmem>>) semaphore(%arg10 : memref<!tpu.dma_semaphore, #tpu.memory_space<semaphore_mem>>)
    %dma_wait3A = arith.constant 0 : i32
    %dma_wait3A_5 = arith.constant 0 : i32
    %dma_wait3A_6 = tpu.memref_slice %arg2[%dma_wait3A, %dma_wait3A_5] : memref<200000x32xf32, #tpu.memory_space<hbm>> -> memref<200000x32xf32, #tpu.memory_space<hbm>>
    tpu.wait_indirect_dma semaphore(%arg10 : memref<!tpu.dma_semaphore, #tpu.memory_space<semaphore_mem>>) src(%dma_wait3A_6 : memref<200000x32xf32, #tpu.memory_space<hbm>>) dst(%arg8 : memref<512x32xf32, #tpu.memory_space<vmem>>)
    %dma_start3A_7 = arith.constant 0 : i32
    %dma_start3A_8 = arith.constant 0 : i32
    %dma_start3A_9 = tpu.memref_slice %arg3[%dma_start3A_7, %dma_start3A_8] : memref<200000x32xf32, #tpu.memory_space<hbm>> -> memref<200000x32xf32, #tpu.memory_space<hbm>>
    tpu.enqueue_indirect_dma source(%dma_start3A_9 : memref<200000x32xf32, #tpu.memory_space<hbm>>) target(%arg9 : memref<512x32xf32, #tpu.memory_space<vmem>>) offsets(%arg7 : memref<512xi32, #tpu.memory_space<vmem>>) semaphore(%arg10 : memref<!tpu.dma_semaphore, #tpu.memory_space<semaphore_mem>>)
    %dma_wait3A_10 = arith.constant 0 : i32
    %dma_wait3A_11 = arith.constant 0 : i32
    %dma_wait3A_12 = tpu.memref_slice %arg3[%dma_wait3A_10, %dma_wait3A_11] : memref<200000x32xf32, #tpu.memory_space<hbm>> -> memref<200000x32xf32, #tpu.memory_space<hbm>>
    tpu.wait_indirect_dma semaphore(%arg10 : memref<!tpu.dma_semaphore, #tpu.memory_space<semaphore_mem>>) src(%dma_wait3A_12 : memref<200000x32xf32, #tpu.memory_space<hbm>>) dst(%arg9 : memref<512x32xf32, #tpu.memory_space<vmem>>)
    "tpu.region"() ({
      %run_scoped3A = tpu.sem_alloc : memref<!tpu.dma_semaphore, #tpu.memory_space<semaphore_mem>>
      %dma_start3A_13 = arith.constant 0 : i32
      %dma_start3A_14 = tpu.memref_slice %arg5[%mul3A_2, %dma_start3A_13] : memref<16384x32xf32, #tpu.memory_space<hbm>> -> memref<512x32xf32, #tpu.memory_space<hbm>>
      %dma_start3A_15 = arith.constant 0 : i32
      %dma_start3A_16 = tpu.memref_slice %arg5[%mul3A_2, %dma_start3A_15] : memref<16384x32xf32, #tpu.memory_space<hbm>> -> memref<512x32xf32, #tpu.memory_space<hbm>>
      tpu.enqueue_dma source(%arg8 : memref<512x32xf32, #tpu.memory_space<vmem>>) target(%dma_start3A_16 : memref<512x32xf32, #tpu.memory_space<hbm>>) target_semaphore(%run_scoped3A : memref<!tpu.dma_semaphore, #tpu.memory_space<semaphore_mem>>)
      %dma_wait3A_17 = arith.constant 0 : i32
      %dma_wait3A_18 = tpu.memref_slice %arg5[%mul3A_2, %dma_wait3A_17] : memref<16384x32xf32, #tpu.memory_space<hbm>> -> memref<512x32xf32, #tpu.memory_space<hbm>>
      %dma_wait3A_19 = arith.constant 0 : i32
      %dma_wait3A_20 = tpu.memref_slice %arg5[%mul3A_2, %dma_wait3A_19] : memref<16384x32xf32, #tpu.memory_space<hbm>> -> memref<512x32xf32, #tpu.memory_space<hbm>>
      tpu.wait_dma2 semaphore(%run_scoped3A : memref<!tpu.dma_semaphore, #tpu.memory_space<semaphore_mem>>) src(%arg8 : memref<512x32xf32, #tpu.memory_space<vmem>>) dst(%dma_wait3A_20 : memref<512x32xf32, #tpu.memory_space<hbm>>)
      tpu.yield
    }) : () -> ()
    "tpu.region"() ({
      %run_scoped3A = tpu.sem_alloc : memref<!tpu.dma_semaphore, #tpu.memory_space<semaphore_mem>>
      %dma_start3A_13 = arith.constant 0 : i32
      %dma_start3A_14 = tpu.memref_slice %arg6[%mul3A_2, %dma_start3A_13] : memref<16384x32xf32, #tpu.memory_space<hbm>> -> memref<512x32xf32, #tpu.memory_space<hbm>>
      %dma_start3A_15 = arith.constant 0 : i32
      %dma_start3A_16 = tpu.memref_slice %arg6[%mul3A_2, %dma_start3A_15] : memref<16384x32xf32, #tpu.memory_space<hbm>> -> memref<512x32xf32, #tpu.memory_space<hbm>>
      tpu.enqueue_dma source(%arg9 : memref<512x32xf32, #tpu.memory_space<vmem>>) target(%dma_start3A_16 : memref<512x32xf32, #tpu.memory_space<hbm>>) target_semaphore(%run_scoped3A : memref<!tpu.dma_semaphore, #tpu.memory_space<semaphore_mem>>)
      %dma_wait3A_17 = arith.constant 0 : i32
      %dma_wait3A_18 = tpu.memref_slice %arg6[%mul3A_2, %dma_wait3A_17] : memref<16384x32xf32, #tpu.memory_space<hbm>> -> memref<512x32xf32, #tpu.memory_space<hbm>>
      %dma_wait3A_19 = arith.constant 0 : i32
      %dma_wait3A_20 = tpu.memref_slice %arg6[%mul3A_2, %dma_wait3A_19] : memref<16384x32xf32, #tpu.memory_space<hbm>> -> memref<512x32xf32, #tpu.memory_space<hbm>>
      tpu.wait_dma2 semaphore(%run_scoped3A : memref<!tpu.dma_semaphore, #tpu.memory_space<semaphore_mem>>) src(%arg9 : memref<512x32xf32, #tpu.memory_space<vmem>>) dst(%dma_wait3A_20 : memref<512x32xf32, #tpu.memory_space<hbm>>)
      tpu.yield
    }) : () -> ()
    return
  }
}

module attributes {stable_mosaic.version = 14 : i64} {
  func.func @_tc1_body(%arg0: i32, %arg1: i32, %arg2: memref<1x2048x32xf32, #tpu.memory_space<vmem>>, %arg3: memref<1x2048x32xf32, #tpu.memory_space<vmem>>, %arg4: memref<128x64xf32, #tpu.memory_space<vmem>>, %arg5: memref<1x1x128x2048xf32, #tpu.memory_space<vmem>>, %arg6: memref<1x128x32xi32, #tpu.memory_space<vmem>>, %arg7: memref<32x128x64xf32, #tpu.memory_space<vmem>>) attributes {dimension_semantics = [#tpu.dimension_semantics<arbitrary>, #tpu.dimension_semantics<arbitrary>], iteration_bounds = array<i64: 4, 25>, scalar_prefetch = 0 : i64, scratch_operands = 1 : i64, tpu.core_type = #tpu.core_type<tc>, window_params = [{transform_indices = @transform_0, window_bounds = array<i64: 1, 2048, 32>}, {transform_indices = @transform_1, window_bounds = array<i64: 1, 2048, 32>}, {pipeline_mode = #tpu.pipeline_mode<synchronous>, transform_indices = @transform_2, window_bounds = array<i64: 128, 64>}, {transform_indices = @transform_3, window_bounds = array<i64: 1, 1, 128, 2048>}, {transform_indices = @transform_4, window_bounds = array<i64: 1, 128, 32>}]} {
    %get3A = arith.constant 0 : index
    %get3A_0 = arith.constant 0 : index
    %get3A_1 = arith.constant 0 : index
    %get3A_2 = vector.load %arg2[%get3A, %get3A_0, %get3A_1] : memref<1x2048x32xf32, #tpu.memory_space<vmem>>, vector<1x2048x32xf32>
    %get3A_3 = vector.shape_cast %get3A_2 : vector<1x2048x32xf32> to vector<2048x32xf32>
    %get3A_4 = arith.constant 0 : index
    %get3A_5 = arith.constant 0 : index
    %get3A_6 = arith.constant 0 : index
    %get3A_7 = vector.load %arg3[%get3A_4, %get3A_5, %get3A_6] : memref<1x2048x32xf32, #tpu.memory_space<vmem>>, vector<1x2048x32xf32>
    %get3A_8 = vector.shape_cast %get3A_7 : vector<1x2048x32xf32> to vector<2048x32xf32>
    %concatenate3A = tpu.concatenate %get3A_3, %get3A_8 in 1 : vector<2048x32xf32>, vector<2048x32xf32> -> vector<2048x64xf32>
    %get3A_9 = arith.constant 0 : index
    %get3A_10 = arith.constant 0 : index
    %get3A_11 = vector.load %arg4[%get3A_9, %get3A_10] : memref<128x64xf32, #tpu.memory_space<vmem>>, vector<128x64xf32>
    %dot_general3A = arith.constant dense<0.000000e+00> : vector<128x2048xf32>
    %dot_general3A_12 = tpu.matmul %get3A_11, %concatenate3A, %dot_general3A {dimension_numbers = #tpu.dot_dimension_numbers<[1], [1], [0], [0], [0, 0, 1, 0], [], []>, transpose_lhs_hint = false} : vector<128x64xf32>, vector<2048x64xf32>, vector<128x2048xf32> -> vector<128x2048xf32>
    %mul3A = arith.constant 2048 : i32
    %mul3A_13 = arith.muli %arg1, %mul3A : i32
    %iota3A = tpu.iota {dimensions = array<i32: 1>} : vector<128x2048xi32>
    %add3A = vector.broadcast %mul3A_13 : i32 to vector<128x2048xi32>
    %add3A_14 = arith.addi %add3A, %iota3A : vector<128x2048xi32>
    %lt3A = arith.constant 50000 : i32
    %lt3A_15 = vector.broadcast %lt3A : i32 to vector<128x2048xi32>
    %lt3A_16 = arith.cmpi slt, %add3A_14, %lt3A_15 : vector<128x2048xi32>
    %jit3A = arith.constant 0xFF800000 : f32
    %broadcast_in_dim3A = vector.broadcast %jit3A : f32 to vector<128x2048xf32>
    %select_n3A = arith.select %lt3A_16, %dot_general3A_12, %broadcast_in_dim3A : vector<128x2048xi1>, vector<128x2048xf32>
    %swap3A = arith.constant 0 : index
    %swap3A_17 = arith.constant 0 : index
    %swap3A_18 = arith.constant 0 : index
    %swap3A_19 = arith.constant 0 : index
    %swap3A_20 = vector.load %arg5[%swap3A, %swap3A_17, %swap3A_18, %swap3A_19] : memref<1x1x128x2048xf32, #tpu.memory_space<vmem>>, vector<1x1x128x2048xf32>
    %swap3A_21 = vector.shape_cast %swap3A_20 : vector<1x1x128x2048xf32> to vector<128x2048xf32>
    %swap3A_22 = vector.shape_cast %select_n3A : vector<128x2048xf32> to vector<1x1x128x2048xf32>
    tpu.vector_store %arg5[%swap3A, %swap3A_17, %swap3A_18, %swap3A_19], %swap3A_22 {strides = array<i32>} : memref<1x1x128x2048xf32, #tpu.memory_space<vmem>>, vector<1x1x128x2048xf32>,
    %eq3A = arith.constant 0 : i32
    %eq3A_23 = arith.cmpi eq, %arg1, %eq3A : i32
    %convert_element_type3A = arith.extui %eq3A_23 : i1 to i32
    %cond3A = arith.constant 0 : i32
    %cond3A_24 = arith.cmpi ne, %convert_element_type3A, %cond3A : i32
    scf.if %cond3A_24 {
      %broadcast_in_dim3A_37 = arith.constant 0xFF800000 : f32
      %broadcast_in_dim3A_38 = vector.broadcast %broadcast_in_dim3A_37 : f32 to vector<32x128x64xf32>
      %swap3A_39 = arith.constant 0 : index
      %swap3A_40 = arith.constant 0 : index
      %swap3A_41 = arith.constant 0 : index
      %swap3A_42 = vector.load %arg7[%swap3A_39, %swap3A_40, %swap3A_41] : memref<32x128x64xf32, #tpu.memory_space<vmem>>, vector<32x128x64xf32>
      tpu.vector_store %arg7[%swap3A_39, %swap3A_40, %swap3A_41], %broadcast_in_dim3A_38 {strides = array<i32>} : memref<32x128x64xf32, #tpu.memory_space<vmem>>, vector<32x128x64xf32>,
    } else {
    }
    %reshape3A = vector.shape_cast %select_n3A : vector<128x2048xf32> to vector<128x64x32xf32>
    %reduce_max3A = arith.constant dense<0xFF800000> : vector<128x64xf32>
    %reduce_max3A_25 = vector.multi_reduction <maximumf>, %reshape3A, %reduce_max3A [2] : vector<128x64x32xf32> to vector<128x64xf32>
    %swap3A_26 = arith.index_cast %arg1 : i32 to index
    %swap3A_27 = arith.constant 0 : index
    %swap3A_28 = arith.constant 0 : index
    %swap3A_29 = vector.load %arg7[%swap3A_26, %swap3A_27, %swap3A_28] : memref<32x128x64xf32, #tpu.memory_space<vmem>>, vector<1x128x64xf32>
    %swap3A_30 = vector.shape_cast %swap3A_29 : vector<1x128x64xf32> to vector<128x64xf32>
    %swap3A_31 = vector.shape_cast %reduce_max3A_25 : vector<128x64xf32> to vector<1x128x64xf32>
    tpu.vector_store %arg7[%swap3A_26, %swap3A_27, %swap3A_28], %swap3A_31 {strides = array<i32>} : memref<32x128x64xf32, #tpu.memory_space<vmem>>, vector<1x128x64xf32>,
    %eq3A_32 = arith.constant 24 : i32
    %eq3A_33 = arith.cmpi eq, %arg1, %eq3A_32 : i32
    %convert_element_type3A_34 = arith.extui %eq3A_33 : i1 to i32
    %cond3A_35 = arith.constant 0 : i32
    %cond3A_36 = arith.cmpi ne, %convert_element_type3A_34, %cond3A_35 : i32
    scf.if %cond3A_36 {
      %get3A_37 = arith.constant 0 : index
      %get3A_38 = arith.constant 0 : index
      %get3A_39 = arith.constant 0 : index
      %get3A_40 = vector.load %arg7[%get3A_37, %get3A_38, %get3A_39] : memref<32x128x64xf32, #tpu.memory_space<vmem>>, vector<32x128x64xf32>
      %iota3A_41 = tpu.iota {dimensions = array<i32: 0>} : vector<32x128x64xi32>
      %mul3A_42 = arith.constant 64 : i32
      %mul3A_43 = vector.broadcast %mul3A_42 : i32 to vector<32x128x64xi32>
      %mul3A_44 = arith.muli %iota3A_41, %mul3A_43 : vector<32x128x64xi32>
      %iota3A_45 = tpu.iota {dimensions = array<i32: 2>} : vector<32x128x64xi32>
      %add3A_46 = arith.addi %mul3A_44, %iota3A_45 : vector<32x128x64xi32>
      %iota3A_47 = tpu.iota {dimensions = array<i32: 1>} : vector<128x32xi32>
      %broadcast_in_dim3A_48 = arith.constant 0 : i32
      %broadcast_in_dim3A_49 = vector.broadcast %broadcast_in_dim3A_48 : i32 to vector<128x32xi32>
      %scan3A = arith.constant 0 : i32
      %scan3A_50 = arith.constant 32 : i32
      %scan3A_51 = arith.addi %scan3A, %scan3A_50 : i32
      %scan3A_52 = arith.constant 1 : i32
      %scan3A_53:2 = scf.for %scan3A_61 = %scan3A to %scan3A_51 step %scan3A_52 iter_args(%scan3A_62 = %get3A_40, %scan3A_63 = %broadcast_in_dim3A_49) -> (vector<32x128x64xf32>, vector<128x32xi32>)  : i32 {
        %reduce_max3A_64 = arith.constant dense<0xFF800000> : vector<32x128xf32>
        %reduce_max3A_65 = vector.multi_reduction <maximumf>, %scan3A_62, %reduce_max3A_64 [2] : vector<32x128x64xf32> to vector<32x128xf32>
        %broadcast_in_dim3A_66 = vector.shape_cast %reduce_max3A_65 : vector<32x128xf32> to vector<32x128x1xf32>
        %reduce_max3A_67 = arith.constant dense<0xFF800000> : vector<128x1xf32>
        %reduce_max3A_68 = vector.multi_reduction <maximumf>, %broadcast_in_dim3A_66, %reduce_max3A_67 [0] : vector<32x128x1xf32> to vector<128x1xf32>
        %broadcast_in_dim3A_69 = vector.shape_cast %reduce_max3A_68 : vector<128x1xf32> to vector<1x128x1xf32>
        %eq3A_70 = vector.broadcast %broadcast_in_dim3A_69 : vector<1x128x1xf32> to vector<32x128x64xf32>
        %eq3A_71 = arith.cmpf oeq, %scan3A_62, %eq3A_70 : vector<32x128x64xf32>
        %jit3A_72 = arith.constant 2147483647 : i32
        %broadcast_in_dim3A_73 = vector.broadcast %jit3A_72 : i32 to vector<32x128x64xi32>
        %select_n3A_74 = arith.select %eq3A_71, %add3A_46, %broadcast_in_dim3A_73 : vector<32x128x64xi1>, vector<32x128x64xi32>
        %reduce_min3A = arith.constant dense<2147483647> : vector<32x128xi32>
        %reduce_min3A_75 = vector.multi_reduction <minsi>, %select_n3A_74, %reduce_min3A [2] : vector<32x128x64xi32> to vector<32x128xi32>
        %broadcast_in_dim3A_76 = vector.shape_cast %reduce_min3A_75 : vector<32x128xi32> to vector<32x128x1xi32>
        %reduce_min3A_77 = arith.constant dense<2147483647> : vector<128x1xi32>
        %reduce_min3A_78 = vector.multi_reduction <minsi>, %broadcast_in_dim3A_76, %reduce_min3A_77 [0] : vector<32x128x1xi32> to vector<128x1xi32>
        %broadcast_in_dim3A_79 = vector.shape_cast %reduce_min3A_78 : vector<128x1xi32> to vector<1x128x1xi32>
        %eq3A_80 = vector.broadcast %broadcast_in_dim3A_79 : vector<1x128x1xi32> to vector<32x128x64xi32>
        %eq3A_81 = arith.cmpi eq, %add3A_46, %eq3A_80 : vector<32x128x64xi32>
        %jit3A_82 = arith.constant 0xFF800000 : f32
        %broadcast_in_dim3A_83 = vector.broadcast %jit3A_82 : f32 to vector<32x128x64xf32>
        %select_n3A_84 = arith.select %eq3A_81, %broadcast_in_dim3A_83, %scan3A_62 : vector<32x128x64xi1>, vector<32x128x64xf32>
        %eq3A_85 = vector.broadcast %scan3A_61 : i32 to vector<128x32xi32>
        %eq3A_86 = arith.cmpi eq, %iota3A_47, %eq3A_85 : vector<128x32xi32>
        %squeeze3A = vector.shape_cast %broadcast_in_dim3A_79 : vector<1x128x1xi32> to vector<128x1xi32>
        %broadcast_in_dim3A_87 = vector.shape_cast %squeeze3A : vector<128x1xi32> to vector<128x1xi32>
        %broadcast_in_dim3A_88 = vector.broadcast %broadcast_in_dim3A_87 : vector<128x1xi32> to vector<128x32xi32>
        %select_n3A_89 = arith.select %eq3A_86, %broadcast_in_dim3A_88, %scan3A_63 : vector<128x32xi1>, vector<128x32xi32>
        scf.yield %select_n3A_84, %select_n3A_89 : vector<32x128x64xf32>, vector<128x32xi32>
      }
      %scan3A_54 = arith.constant 32 : i32
      %swap3A_55 = arith.constant 0 : index
      %swap3A_56 = arith.constant 0 : index
      %swap3A_57 = arith.constant 0 : index
      %swap3A_58 = vector.load %arg6[%swap3A_55, %swap3A_56, %swap3A_57] : memref<1x128x32xi32, #tpu.memory_space<vmem>>, vector<1x128x32xi32>
      %swap3A_59 = vector.shape_cast %swap3A_58 : vector<1x128x32xi32> to vector<128x32xi32>
      %swap3A_60 = vector.shape_cast %scan3A_53#1 : vector<128x32xi32> to vector<1x128x32xi32>
      tpu.vector_store %arg6[%swap3A_55, %swap3A_56, %swap3A_57], %swap3A_60 {strides = array<i32>} : memref<1x128x32xi32, #tpu.memory_space<vmem>>, vector<1x128x32xi32>,
    } else {
    }
    return
  }
  func.func @transform_0(%arg0: i32, %arg1: i32) -> (i32, i32, i32) {
    %c0_i32 = arith.constant 0 : i32
    %c0_i32_0 = arith.constant 0 : i32
    return %arg0, %arg1, %c0_i32 : i32, i32, i32
  }
  func.func @transform_1(%arg0: i32, %arg1: i32) -> (i32, i32, i32) {
    %c0_i32 = arith.constant 0 : i32
    %c0_i32_0 = arith.constant 0 : i32
    return %arg0, %arg1, %c0_i32 : i32, i32, i32
  }
  func.func @transform_2(%arg0: i32, %arg1: i32) -> (i32, i32) {
    %c0_i32 = arith.constant 0 : i32
    %c0_i32_0 = arith.constant 0 : i32
    %c0_i32_1 = arith.constant 0 : i32
    return %c0_i32, %c0_i32_0 : i32, i32
  }
  func.func @transform_3(%arg0: i32, %arg1: i32) -> (i32, i32, i32, i32) {
    %c0_i32 = arith.constant 0 : i32
    %c0_i32_0 = arith.constant 0 : i32
    %c0_i32_1 = arith.constant 0 : i32
    return %arg0, %arg1, %c0_i32, %c0_i32_0 : i32, i32, i32, i32
  }
  func.func @transform_4(%arg0: i32, %arg1: i32) -> (i32, i32, i32) {
    %c0_i32 = arith.constant 0 : i32
    %c0_i32_0 = arith.constant 0 : i32
    %c0_i32_1 = arith.constant 0 : i32
    return %arg0, %c0_i32, %c0_i32_0 : i32, i32, i32
  }
}

module attributes {stable_mosaic.version = 14 : i64} {
  func.func @_tc2_body(%arg0: i32, %arg1: memref<1x128x1024xf32, #tpu.memory_space<vmem>>, %arg2: memref<1x128x1024xi32, #tpu.memory_space<vmem>>, %arg3: memref<1x128x32xi32, #tpu.memory_space<vmem>>) attributes {dimension_semantics = [#tpu.dimension_semantics<arbitrary>], iteration_bounds = array<i64: 4>, scalar_prefetch = 0 : i64, scratch_operands = 0 : i64, tpu.core_type = #tpu.core_type<tc>, window_params = [{transform_indices = @transform_0, window_bounds = array<i64: 1, 128, 1024>}, {transform_indices = @transform_1, window_bounds = array<i64: 1, 128, 1024>}, {transform_indices = @transform_2, window_bounds = array<i64: 1, 128, 32>}]} {
    %get3A = arith.constant 0 : index
    %get3A_0 = arith.constant 0 : index
    %get3A_1 = arith.constant 0 : index
    %get3A_2 = vector.load %arg1[%get3A, %get3A_0, %get3A_1] : memref<1x128x1024xf32, #tpu.memory_space<vmem>>, vector<1x128x1024xf32>
    %get3A_3 = vector.shape_cast %get3A_2 : vector<1x128x1024xf32> to vector<128x1024xf32>
    %get3A_4 = arith.constant 0 : index
    %get3A_5 = arith.constant 0 : index
    %get3A_6 = arith.constant 0 : index
    %get3A_7 = vector.load %arg2[%get3A_4, %get3A_5, %get3A_6] : memref<1x128x1024xi32, #tpu.memory_space<vmem>>, vector<1x128x1024xi32>
    %get3A_8 = vector.shape_cast %get3A_7 : vector<1x128x1024xi32> to vector<128x1024xi32>
    %iota3A = tpu.iota {dimensions = array<i32: 1>} : vector<128x32xi32>
    %broadcast_in_dim3A = arith.constant 0 : i32
    %broadcast_in_dim3A_9 = vector.broadcast %broadcast_in_dim3A : i32 to vector<128x32xi32>
    %scan3A = arith.constant 0 : i32
    %scan3A_10 = arith.constant 32 : i32
    %scan3A_11 = arith.addi %scan3A, %scan3A_10 : i32
    %scan3A_12 = arith.constant 1 : i32
    %scan3A_13:2 = scf.for %scan3A_20 = %scan3A to %scan3A_11 step %scan3A_12 iter_args(%scan3A_21 = %get3A_3, %scan3A_22 = %broadcast_in_dim3A_9) -> (vector<128x1024xf32>, vector<128x32xi32>)  : i32 {
      %reduce_max3A = arith.constant dense<0xFF800000> : vector<128xf32>
      %reduce_max3A_23 = vector.multi_reduction <maximumf>, %scan3A_21, %reduce_max3A [1] : vector<128x1024xf32> to vector<128xf32>
      %broadcast_in_dim3A_24 = vector.shape_cast %reduce_max3A_23 : vector<128xf32> to vector<128x1xf32>
      %eq3A = vector.broadcast %broadcast_in_dim3A_24 : vector<128x1xf32> to vector<128x1024xf32>
      %eq3A_25 = arith.cmpf oeq, %scan3A_21, %eq3A : vector<128x1024xf32>
      %jit3A = arith.constant 2147483647 : i32
      %broadcast_in_dim3A_26 = vector.broadcast %jit3A : i32 to vector<128x1024xi32>
      %select_n3A = arith.select %eq3A_25, %get3A_8, %broadcast_in_dim3A_26 : vector<128x1024xi1>, vector<128x1024xi32>
      %reduce_min3A = arith.constant dense<2147483647> : vector<128xi32>
      %reduce_min3A_27 = vector.multi_reduction <minsi>, %select_n3A, %reduce_min3A [1] : vector<128x1024xi32> to vector<128xi32>
      %broadcast_in_dim3A_28 = vector.shape_cast %reduce_min3A_27 : vector<128xi32> to vector<128x1xi32>
      %eq3A_29 = vector.broadcast %broadcast_in_dim3A_28 : vector<128x1xi32> to vector<128x1024xi32>
      %eq3A_30 = arith.cmpi eq, %get3A_8, %eq3A_29 : vector<128x1024xi32>
      %jit3A_31 = arith.constant 0xFF800000 : f32
      %broadcast_in_dim3A_32 = vector.broadcast %jit3A_31 : f32 to vector<128x1024xf32>
      %select_n3A_33 = arith.select %eq3A_30, %broadcast_in_dim3A_32, %scan3A_21 : vector<128x1024xi1>, vector<128x1024xf32>
      %eq3A_34 = vector.broadcast %scan3A_20 : i32 to vector<128x32xi32>
      %eq3A_35 = arith.cmpi eq, %iota3A, %eq3A_34 : vector<128x32xi32>
      %broadcast_in_dim3A_36 = vector.shape_cast %broadcast_in_dim3A_28 : vector<128x1xi32> to vector<128x1xi32>
      %broadcast_in_dim3A_37 = vector.broadcast %broadcast_in_dim3A_36 : vector<128x1xi32> to vector<128x32xi32>
      %select_n3A_38 = arith.select %eq3A_35, %broadcast_in_dim3A_37, %scan3A_22 : vector<128x32xi1>, vector<128x32xi32>
      scf.yield %select_n3A_33, %select_n3A_38 : vector<128x1024xf32>, vector<128x32xi32>
    }
    %scan3A_14 = arith.constant 32 : i32
    %swap3A = arith.constant 0 : index
    %swap3A_15 = arith.constant 0 : index
    %swap3A_16 = arith.constant 0 : index
    %swap3A_17 = vector.load %arg3[%swap3A, %swap3A_15, %swap3A_16] : memref<1x128x32xi32, #tpu.memory_space<vmem>>, vector<1x128x32xi32>
    %swap3A_18 = vector.shape_cast %swap3A_17 : vector<1x128x32xi32> to vector<128x32xi32>
    %swap3A_19 = vector.shape_cast %scan3A_13#1 : vector<128x32xi32> to vector<1x128x32xi32>
    tpu.vector_store %arg3[%swap3A, %swap3A_15, %swap3A_16], %swap3A_19 {strides = array<i32>} : memref<1x128x32xi32, #tpu.memory_space<vmem>>, vector<1x128x32xi32>,
    return
  }
  func.func @transform_0(%arg0: i32) -> (i32, i32, i32) {
    %c0_i32 = arith.constant 0 : i32
    %c0_i32_0 = arith.constant 0 : i32
    %c0_i32_1 = arith.constant 0 : i32
    return %arg0, %c0_i32, %c0_i32_0 : i32, i32, i32
  }
  func.func @transform_1(%arg0: i32) -> (i32, i32, i32) {
    %c0_i32 = arith.constant 0 : i32
    %c0_i32_0 = arith.constant 0 : i32
    %c0_i32_1 = arith.constant 0 : i32
    return %arg0, %c0_i32, %c0_i32_0 : i32, i32, i32
  }
  func.func @transform_2(%arg0: i32) -> (i32, i32, i32) {
    %c0_i32 = arith.constant 0 : i32
    %c0_i32_0 = arith.constant 0 : i32
    %c0_i32_1 = arith.constant 0 : i32
    return %arg0, %c0_i32, %c0_i32_0 : i32, i32, i32
  }
}

</mosaic_0001>

<sc_bundles>
// kernel: kernel.6.cloned.1.call-start
scs
__scs_entry_jumppad:
0x0: {  	(pc) =	sbr.rel $0x88, $3  }
0x1: {  	(tag) =	ssettag $0x0;
	lr =	simm.s32 $0x1  }
0x2: {  	[smem:$0x3F9E] =	sst lr;
	_ =	strace $0xD0000000  }
0x3: {  	_ = 	snop  }
0x4: {  	_ = 	snop  }
0x5: {  	_ = 	snop  }
0x6: {  	_ = 	snop  }
0x7: {  	_ = 	snop  }
__scs_overlays_trampoline_lowered:
0x8: {  	[smem:$0x3FAD] =	sst s0  }
0x9: {  	[smem:$0x3FAE] =	sst s1  }
0xa: {  	[smem:$0x3FAF] =	sst s2  }
0xb: {  	[smem:$0x3FB0] =	sst s3  }
0xc: {  	[smem:$0x3FB1] =	sst s4  }
0xd: {  	[smem:$0x3FB2] =	sst s5  }
0xe: {  	[smem:$0x3FB3] =	sst s6  }
0xf: {  	[smem:$0x3FB4] =	sst s7  }
0x10: {  	[smem:$0x3FB5] =	sst s8  }
0x11: {  	[smem:$0x3FB6] =	sst s9;
	s0 =	simm.s32 @!p0 $0x0  }
0x12: {  	s1 =	sld [smem:$0x3F9C];
	s0 =	simm.s32 @p0 $0x1  }
0x13: {  	[smem:$0x3FB7] =	sst s0;
	s0 =	simm.s32 @!p1 $0x0  }
0x14: {  	s2 =	sld [smem:$0x3F9B];
	s0 =	simm.s32 @p1 $0x1  }
0x15: {  	[smem:$0x3FB8] =	sst s0;
	s0 =	simm.s32 @!p2 $0x0  }
0x16: {  	s3 =	sld [smem:$0x3FDB];
	s0 =	simm.s32 @p2 $0x1  }
0x17: {  	s4 =	simm.s32 $0x1BF5;
	[smem:$0x3FBA] =	sst s0  }
0x18: {  	s0 =	sld [smem:$0x3F9D];
	_ =	swait.ge [sflag:s4], $0x0  }
0x19: {  	s7 =	sld [smem:$0x3F9E]  }
0x1a: {  	s8 =	sadd.s32 $0xFFFFE003, lr  }
0x1b: {  	s9 =	sadd.s32 $0xFFFFFEF7, lr;
	s5 =	simm.s32 $0xFFFFFFFF;
	p2 =	slt.u32 s8, $0xFFFFF086  }
0x1c: {  	p1 =	slt.u32 s9, $0xF7A;
	s5 =	simm.s32 @!p2 $0x0  }
0x1d: {  	s5 =	simm.s32 @p1 $0x1;
	p0 =	seq.s32 s7, s2  }
0x1e: {  	s7 =	smul.u32 @!p0 $0xF7A, s2;
	p2 =	seq.s32 @!p0 s5, $0x0  }
0x1f: {  	s9 =	smul.u32 $0xF7A, s1;
	s8 =	simm.s32 @!p0 $0x1BF5;
	p2 =	por !p2, p0  }
0x20: {  	[sflag:s8] =	ssyncset.s32 @!p0 $0xFFFFF086;
	s6 =	sadd.s32 @!p0 s3, s7;
	s7 =	simm.s32 @!p0 $0x108  }
0x21: {  	s3 =	sadd.s32 s3, s9;
	s6 =	sadd.s32 @!p0 $0x88, s6;
	s7 =	simm.s32 @p2 $0x1082  }
0x22: {  	[simem:s7], [sflag:s8] =	dma.local @!p0 [hbm:s6], $0xF7A  }
0x23: {  	s9 =	sor.u32 $0xD0000000, s2;
	s6 =	simm.s32 $0x108;
	_ =	swait.ge @!p0 [sflag:s8], $0x0  }
0x24: {  	s3 =	sadd.s32 $0x88, s3;
	s6 =	simm.s32 @!p1 $0x1082;
	[sflag:s4] =	ssyncset.s32 $0xFFFFF086  }
0x25: {  	[simem:s6], [sflag:s4] =	dma.local [hbm:s3], $0xF7A  }
0x26: {  	[smem:$0x3F9E] =	sst s1;
	(tag) =	ssettag s2;
	_ =	strace s9  }
0x27: {  	s1 =	sld [smem:$0x3FAE]  }
0x28: {  	s2 =	sld [smem:$0x3FAF]  }
0x29: {  	s4 =	sld [smem:$0x3FB1]  }
0x2a: {  	p0 =	seq.s32 s5, $0x0;
	s5 =	sld [smem:$0x3FB2]  }
0x2b: {  	s6 =	sld [smem:$0x3FB3]  }
0x2c: {  	s7 =	sld [smem:$0x3FB4]  }
0x2d: {  	s3 =	simm.s32 $0x108;
	s8 =	sld [smem:$0x3FB5]  }
0x2e: {  	s3 =	simm.s32 @!p0 $0x1082;
	s9 =	sld [smem:$0x3FB6]  }
0x2f: {  	lr =	sadd.s32 s0, s3;
	s0 =	sld [smem:$0x3FAD]  }
0x30: {  	s3 =	sld [smem:$0x3FB0]  }
0x31: {  	[smem:$0x3FB9] =	sst s10  }
0x32: {  	s10 =	sld [smem:$0x3FB7];
	_ =	sdelay $0x3  }
0x33: {  	p0 =	seq.s32 s10, $0x1;
	s10 =	sld [smem:$0x3FB9];
	_ =	sdelay $0x3  }
0x34: {  	[smem:$0x3FB9] =	sst s10  }
0x35: {  	s10 =	sld [smem:$0x3FB8];
	_ =	sdelay $0x3  }
0x36: {  	p1 =	seq.s32 s10, $0x1;
	s10 =	sld [smem:$0x3FB9];
	_ =	sdelay $0x3  }
0x37: {  	[smem:$0x3FB9] =	sst s10  }
0x38: {  	s10 =	sld [smem:$0x3FBA]  }
0x39: {  	_ = 	snop;
	(pc) =	sbr.ind lr, $3  }
0x3a: {  	_ = 	snop  }
0x3b: {  	_ = 	snop  }
0x3c: {  	p2 =	seq.s32 s10, $0x1;
	s10 =	sld [smem:$0x3FB9]  }
0x3d: {  	_ =	shalt  }
0x3e: {  	_ =	shalt  }
0x3f: {  	_ =	shalt  }
0x40: {  	_ =	shalt  }
0x41: {  	_ =	shalt  }
0x42: {  	_ =	shalt  }
0x43: {  	_ =	shalt  }
0x44: {  	_ =	shalt  }
0x45: {  	_ =	shalt  }
0x46: {  	_ =	shalt  }
0x47: {  	_ =	shalt  }
0x48: {  	_ =	shalt  }
0x49: {  	_ =	shalt  }
0x4a: {  	_ =	shalt  }
0x4b: {  	_ =	shalt  }
0x4c: {  	_ =	shalt  }
0x4d: {  	_ =	shalt  }
0x4e: {  	_ =	shalt  }
0x4f: {  	_ =	shalt  }
0x50: {  	_ =	shalt  }
0x51: {  	_ =	shalt  }
0x52: {  	_ =	shalt  }
0x53: {  	_ =	shalt  }
0x54: {  	_ =	shalt  }
0x55: {  	_ =	shalt  }
0x56: {  	_ =	shalt  }
0x57: {  	_ =	shalt  }
0x58: {  	_ =	shalt  }
0x59: {  	_ =	shalt  }
0x5a: {  	_ =	shalt  }
0x5b: {  	_ =	shalt  }
0x5c: {  	_ =	shalt  }
0x5d: {  	_ =	shalt  }
0x5e: {  	_ =	shalt  }
0x5f: {  	_ =	shalt  }
0x60: {  	_ =	shalt  }
0x61: {  	_ =	shalt  }
0x62: {  	_ =	shalt  }
0x63: {  	_ =	shalt  }
0x64: {  	_ =	shalt  }
0x65: {  	_ =	shalt  }
0x66: {  	_ =	shalt  }
0x67: {  	_ =	shalt  }
0x68: {  	_ =	shalt  }
0x69: {  	_ =	shalt  }
0x6a: {  	_ =	shalt  }
0x6b: {  	_ =	shalt  }
0x6c: {  	_ =	shalt  }
0x6d: {  	_ =	shalt  }
0x6e: {  	_ =	shalt  }
0x6f: {  	_ =	shalt  }
0x70: {  	_ =	shalt  }
0x71: {  	_ =	shalt  }
0x72: {  	_ =	shalt  }
0x73: {  	_ =	shalt  }
0x74: {  	_ =	shalt  }
0x75: {  	_ =	shalt  }
0x76: {  	_ =	shalt  }
0x77: {  	_ =	shalt  }
0x78: {  	_ =	shalt  }
0x79: {  	_ =	shalt  }
0x7a: {  	_ =	shalt  }
0x7b: {  	_ =	shalt  }
0x7c: {  	_ =	shalt  }
0x7d: {  	_ =	shalt  }
0x7e: {  	_ =	shalt  }
0x7f: {  	_ =	shalt  }
0x80: {  	_ =	shalt  }
0x81: {  	_ =	shalt  }
0x82: {  	_ =	shalt  }
0x83: {  	_ =	shalt  }
0x84: {  	_ =	shalt  }
0x85: {  	_ =	shalt  }
0x86: {  	_ =	shalt  }
0x87: {  	_ =	shalt  }
.Lfunc_end0:
.L_simem_size_0:
called_computation.1_lowered:
.L_overlay_start_0:
0x88: {  	s2 =	sld [smem:$0x3FD9]  }
0x89: {  	s3 =	sld [smem:$0x3FFE];
	_ =	sdelay $0x1  }
0x8a: {  	s1 =	srdreg.scid  }
0x8b: {  	s0 =	sand.u32 $0x1, s1  }
0x8c: {  	s14 =	sshll.u32 s0, $0xA;
	s2 =	sadd.s32 s3, s2  }
0x8d: {  	s2 =	sadd.s32 s2, s14  }
0x8e: {  	[smem:$0x3FC5] =	sst s2  }
0x8f: {  	_ = 	snop  }
0x90: {  	s2 =	sld [smem:$0x3FD0];
	_ =	sdelay $0x2  }
0x91: {  	s15 =	simm.s32 $0xA;
	s4 =	simm.s32 $0x10  }
0x92: {  	[smem:s4], [sflag:s15] =	dma.local [hbm:s2], $0x1  }
0x93: {  	_ =	swait.eq [sflag:s15], $0x1  }
0x94: {  	[sflag:s15] =	ssyncset.done $0x0  }
0x95: {  	s16 =	sld [smem:$0x11];
	[sflag:s15] =	ssyncadd.s32 $0xFFFFFFFF  }
0x96: {  	s17 =	sld [smem:$0x13];
	(tm) =	ssettm $0x1  }
0x97: {  	s18 =	sld [smem:$0x3FFB];
	_ =	sdelay $0x3  }
0x98: {  	_ =	strace s18  }
0x99: {  	s4 =	sld [smem:$0x3FFC];
	_ =	sdelay $0x3  }
0x9a: {  	_ =	strace s4  }
0x9b: {  	s4 =	sld [smem:$0x3FFD];
	_ =	sdelay $0x3  }
0x9c: {  	_ =	strace s4  }
0x9d: {  	_ =	strace $0x8FFFFFFF  }
0x9e: {  	s19 =	sld [smem:$0x3FDB];
	_ =	sdelay $0x1  }
0x9f: {  	s5 =	simm.s32 $_scs_section_size  }
0xa0: {  	s6 =	simm.s32 $_size__tile_overlayer_lowered;
	s7 =	simm.s32 $_tile_overlayer_lowered  }
0xa1: {  	s22 =	simm.s32 $0x1BFF;
	s21 =	sshll.u32 s7, $0x1;
	s4 =	sadd.s32 s5, s19  }
0xa2: {  	s8 =	simm.s32 $0x0;
	s20 =	sshll.u32 s6, $0x1;
	s6 =	sadd.s32 s21, s4  }
0xa3: {  	[timem:s8], [sflag:s22] =	dma.local [hbm:s6], s20  }
0xa4: {  	_ =	swait.ge [sflag:s22], s20  }
0xa5: {  	s5 =	ssub.s32 $0x0, s20;
	[sflag:s22] =	ssyncset.done $0x0  }
0xa6: {  	[sflag:s22] =	ssyncadd.s32 s5;
	_ =	sdelay $0x1  }
0xa7: {  	s23 =	simm.s32 $0x1B8B  }
0xa8: {  	_ =	swait.ge [sflag:s23], $0x1  }
0xa9: {  	[sflag:s23] =	ssyncset.done $0x0  }
0xaa: {  	s25 =	simm.s32 $0x1B8E;
	s24 =	sld [smem:$0x3FFE];
	[sflag:s23] =	ssyncadd.s32 $0xFFFFFFFF  }
0xab: {  	s26 =	simm.s32 $execute0_lowered;
	[smem:$0x3FD2] =	sst s25  }
0xac: {  	s6 =	sshll.u32 s26, $0x1;
	_ =	strace $0x80000049;
	[dreg:$0x1] =	wrdreg $0xFFFFFFFF  }
0xad: {  	s28 =	simm.s32 $_size_execute0_lowered;
	s4 =	sadd.s32 s4, s6;
	[dreg:$0x0] =	wrdreg $0x0  }
0xae: {  	s6 =	sshll.u32 s28, $0x1;
	[dreg:$0x2] =	wrdreg s4  }
0xaf: {  	[dreg:$0x3] =	wrdreg s6  }
0xb0: {  	[dreg:$0x4] =	wrdreg $0xC0  }
0xb1: {  	_ =	task [dreg:s8], $0x5FFFF  }
0xb2: {  	[dreg:$0x1] =	wrdreg $0xFFFFFFFF  }
0xb3: {  	[dreg:$0x0] =	wrdreg $0x60  }
0xb4: {  	[dreg:$0x2] =	wrdreg s24  }
0xb5: {  	[dreg:$0x3] =	wrdreg s17  }
0xb6: {  	[dreg:$0x4] =	wrdreg s16  }
0xb7: {  	[dreg:$0x5] =	wrdreg $0x9  }
0xb8: {  	_ =	task.clear_ibuf [dreg:s8], $0x6FFFF;
	_ =	strace $0x90000049  }
0xb9: {  	s29 =	simm.s32 $0x9;
	_ =	strace $0x8000004B  }
0xba: {  	_ =	swait.ge [sflag:s29], $0x1  }
0xbb: {  	[sflag:s29] =	ssyncadd.s32 $0xFFFFFFFF  }
0xbc: {  	_ =	strace $0x9000004B  }
0xbd: {  	_ =	sfence  }
0xbe: {  	s30 =	sld [smem:$0x0];
	_ =	sdelay $0x2  }
0xbf: {  	s31 =	sshll.u32 s1, $0xD;
	s1 =	sshrl.u32 s1, $0x2  }
0xc0: {  	s3 =	sand.u32 $0x4000, s31;
	s1 =	sadd.s32 s1, s30  }
0xc1: {  	s0 =	sor.u32 s3, s0;
	s1 =	sshll.u32 s1, $0x11  }
0xc2: {  	s0 =	sor.u32 s1, s0  }
0xc3: {  	s0 =	sadd.s32 $0x8F2B, s0  }
0xc4: {  	[sflag:s0] =	ssyncadd.remote.s32 $0x1  }
0xc5: {  	_ =	sfence.sel $0xFFFF  }
0xc6: {  	[dreg:$0x0] =	wrdreg $0xFFFFFFFF;
	(pc) =	sbr.abs _section_cstart, $3  }
0xc7: {  	[dreg:$0x1] =	wrdreg $0xFFFFFFFF  }
0xc8: {  	_ =	task.clear_ibuf [dreg:s8], $0x2FFFF;
	_ =	strace $0x9FFFFFFF  }
0xc9: {  	(tm) =	ssettm $0x7FFFFFFF  }
tec
execute0_lowered:
.L_overlay_start_1:
0x0: {  	(tag) =	ssettag $0x1  }
0x1: {  	s5 =	rddreg [dreg:$0x0]  }
0x2: {  	s1 =	srdreg.scid;
	s3 =	rddreg [dreg:$0x1]  }
0x3: {  	s0 =	stileid.u32;
	s8 =	rddreg [dreg:$0x2];
	s6 =	sand.u32 $0x1, s1  }
0x4: {  	s2 =	simm.s32 $0x0;
	s4 =	sshll.u32 s0, $0xA;
	s7 =	sshll.u32 s6, $0x9  }
0x5: {  	[smem:$0x7FF] =	sst s2;
	s9 =	sor.u32 s7, s4  }
0x6: {  	s1 =	rddreg [dreg:$0x3];
	_ =	strace $0x8000004A;
	s4 =	sshrl.u32 s9, $0x3  }
0x7: {  	s10 =	ssub.s32 $0x2, s6;
	s4 =	sadd.s32 s3, s4;
	s3 =	simm.s32 $0x2  }
0x8: {  	[tilespmem:s2], [sflag:$0x2] =	stream.linear.gather [hbm4b:s4+s2], $0x200, $0x38;
	[tilespmem:$0x4200] =	vst v63  }
0x9: {  	s5 =	sadd.s32 $0x93C200, s5;
	s11 =	sshrl.u32 s10, $0x1;
	_ =	swait.ge [sflag:s3], $0x200  }
0xa: {  	s6 =	simm.s32 $0x200;
	s10 =	ssub.s32 s10, s11;
	[sflag:s3] =	ssyncset.done $0x0  }
0xb: {  	s7 =	simm.s32 $0x1;
	s31 =	smax.u32 s10, $0x1;
	[sflag:s3] =	ssyncadd.s32 $0xFFFFFE00  }
0xc: {  	[tilespmem:s6], [sflag:$0x1] =	stream.indirect.gather [hbm4b:s5+s6], $0x20, s2, s6, $0xb8;
	[tilespmem:$0x4200] =	vst v63  }
0xd: {  	p0 =	sne.s32 s31, $0x1;
	_ =	swait.ge [sflag:s7], $0x4000  }
.Ltmp0:
0xe: {  	s9 =	sshll.u32 s9, $0x2;
	[sflag:s7] =	ssyncset.done $0x0;
	(pc) =	sbr.rel @!p0 .LBB2_2-.Ltmp0, $4  }
0xf: {  	s8 =	sadd.s32 s8, s9;
	[sflag:s7] =	ssyncadd.s32 $0xFFFFC000  }
0x10: {  	[hbm4b:s8+s2] =	stream.linear.scatter [tilespmem:s6], [sflag:$0x2], $0x4000, $0x38;
	[tilespmem:$0x4200] =	vst v63  }
0x11: {  	_ =	swait.ge [sflag:s3], $0x4000  }
0x12: {  	s9 =	sadd.s32 $0xFFFFFFFF, s31;
	[sflag:s3] =	ssyncset.done $0x0  }
.LBB2_1:
0x13: {  	p0 =	sne.s32 s9, $0x1;
	s9 =	sadd.s32 $0xFFFFFFFF, s9;
	[sflag:s3] =	ssyncadd.s32 $0xFFFFC000  }
0x14: {  	[tilespmem:s2], [sflag:$0x2] =	stream.linear.gather [hbm4b:s4+s2], $0x200, $0x38;
	[tilespmem:$0x4200] =	vst v63  }
0x15: {  	_ =	swait.ge [sflag:s3], $0x200  }
0x16: {  	[sflag:s3] =	ssyncset.done $0x0  }
0x17: {  	[sflag:s3] =	ssyncadd.s32 $0xFFFFFE00  }
0x18: {  	[tilespmem:s6], [sflag:$0x1] =	stream.indirect.gather [hbm4b:s5+s6], $0x20, s2, s6, $0xb8;
	[tilespmem:$0x4200] =	vst v63  }
0x19: {  	_ =	swait.ge [sflag:s7], $0x4000  }
.Ltmp1:
0x1a: {  	[sflag:s7] =	ssyncset.done $0x0;
	(pc) =	sbr.rel @p0 .LBB2_1-.Ltmp1, $4  }
0x1b: {  	[sflag:s7] =	ssyncadd.s32 $0xFFFFC000  }
0x1c: {  	[hbm4b:s8+s2] =	stream.linear.scatter [tilespmem:s6], [sflag:$0x2], $0x4000, $0x38;
	[tilespmem:$0x4200] =	vst v63  }
0x1d: {  	_ =	swait.ge [sflag:s3], $0x4000  }
0x1e: {  	[sflag:s3] =	ssyncset.done $0x0  }
.LBB2_2:
0x1f: {  	[sflag:s3] =	ssyncadd.s32 $0xFFFFC000  }
0x20: {  	_ =	sfence.sel $0x180000  }
0x21: {  	[bflag:$0x0] =	sbarrier.arrive $0xFFFF  }
0x22: {  	p0 =	sne.s32 s0, $0x0;
	_ =	strace $0x9000004A  }
0x23: {  	s0 =	sadd.s32 @!p0 $0x100000, s1;
	[bflag:$0x2] =	sbarrier.arrive $0xFFFF  }
0x24: {  	[sflag:s0] =	ssyncadd.tile.s32 @!p0 $0x1;
	_ =	shalt  }
.Lfunc_end2:
_tile_overlayer_lowered:
.L_overlay_start_2:
0x25: {  	(tag) =	ssettag $0x2  }
0x26: {  	s0 =	rddreg [dreg:$0x0];
	s2 =	stileid.u32  }
0x27: {  	s1 =	rddreg [dreg:$0x1];
	p0 =	sne.s32 s2, $0x0  }
0x28: {  	s3 =	rddreg [dreg:$0x2];
	[bflag:$0x3] =	sbarrier.arrive $0xFFFF;
	s2 =	simm.s32 @!p0 $0x1C02  }
0x29: {  	[timem:s3], [sflag:s2] =	dma.local @!p0 [hbm:s0], s1  }
0x2a: {  	s0 =	simm.s32 @!p0 $0x2  }
0x2b: {  	_ =	swait.ge @!p0 [sflag:s0], s1  }
0x2c: {  	s1 =	ssub.s32 @!p0 $0x0, s1;
	[sflag:s0] =	ssyncset.done @!p0 $0x0  }
0x2d: {  	[sflag:s0] =	ssyncadd.s32 @!p0 s1  }
0x2e: {  	[bflag:$0x3] =	sbarrier.arrive $0xFFFF  }
0x2f: {  	_ =	shalt  }

// kernel: kernel.9.cloned.1.call-start
scs
__scs_entry_jumppad:
0x0: {  	(pc) =	sbr.rel $0x88, $3  }
0x1: {  	(tag) =	ssettag $0x0;
	lr =	simm.s32 $0x1  }
0x2: {  	[smem:$0x3F9E] =	sst lr;
	_ =	strace $0xD0000000  }
0x3: {  	_ = 	snop  }
0x4: {  	_ = 	snop  }
0x5: {  	_ = 	snop  }
0x6: {  	_ = 	snop  }
0x7: {  	_ = 	snop  }
__scs_overlays_trampoline_lowered:
0x8: {  	[smem:$0x3FAD] =	sst s0  }
0x9: {  	[smem:$0x3FAE] =	sst s1  }
0xa: {  	[smem:$0x3FAF] =	sst s2  }
0xb: {  	[smem:$0x3FB0] =	sst s3  }
0xc: {  	[smem:$0x3FB1] =	sst s4  }
0xd: {  	[smem:$0x3FB2] =	sst s5  }
0xe: {  	[smem:$0x3FB3] =	sst s6  }
0xf: {  	[smem:$0x3FB4] =	sst s7  }
0x10: {  	[smem:$0x3FB5] =	sst s8  }
0x11: {  	[smem:$0x3FB6] =	sst s9;
	s0 =	simm.s32 @!p0 $0x0  }
0x12: {  	s1 =	sld [smem:$0x3F9C];
	s0 =	simm.s32 @p0 $0x1  }
0x13: {  	[smem:$0x3FB7] =	sst s0;
	s0 =	simm.s32 @!p1 $0x0  }
0x14: {  	s2 =	sld [smem:$0x3F9B];
	s0 =	simm.s32 @p1 $0x1  }
0x15: {  	[smem:$0x3FB8] =	sst s0;
	s0 =	simm.s32 @!p2 $0x0  }
0x16: {  	s3 =	sld [smem:$0x3FDB];
	s0 =	simm.s32 @p2 $0x1  }
0x17: {  	s4 =	simm.s32 $0x1BF5;
	[smem:$0x3FBA] =	sst s0  }
0x18: {  	s0 =	sld [smem:$0x3F9D];
	_ =	swait.ge [sflag:s4], $0x0  }
0x19: {  	s7 =	sld [smem:$0x3F9E]  }
0x1a: {  	s8 =	sadd.s32 $0xFFFFE003, lr  }
0x1b: {  	s9 =	sadd.s32 $0xFFFFFEF7, lr;
	s5 =	simm.s32 $0xFFFFFFFF;
	p2 =	slt.u32 s8, $0xFFFFF086  }
0x1c: {  	p1 =	slt.u32 s9, $0xF7A;
	s5 =	simm.s32 @!p2 $0x0  }
0x1d: {  	s5 =	simm.s32 @p1 $0x1;
	p0 =	seq.s32 s7, s2  }
0x1e: {  	s7 =	smul.u32 @!p0 $0xF7A, s2;
	p2 =	seq.s32 @!p0 s5, $0x0  }
0x1f: {  	s9 =	smul.u32 $0xF7A, s1;
	s8 =	simm.s32 @!p0 $0x1BF5;
	p2 =	por !p2, p0  }
0x20: {  	[sflag:s8] =	ssyncset.s32 @!p0 $0xFFFFF086;
	s6 =	sadd.s32 @!p0 s3, s7;
	s7 =	simm.s32 @!p0 $0x108  }
0x21: {  	s3 =	sadd.s32 s3, s9;
	s6 =	sadd.s32 @!p0 $0x88, s6;
	s7 =	simm.s32 @p2 $0x1082  }
0x22: {  	[simem:s7], [sflag:s8] =	dma.local @!p0 [hbm:s6], $0xF7A  }
0x23: {  	s9 =	sor.u32 $0xD0000000, s2;
	s6 =	simm.s32 $0x108;
	_ =	swait.ge @!p0 [sflag:s8], $0x0  }
0x24: {  	s3 =	sadd.s32 $0x88, s3;
	s6 =	simm.s32 @!p1 $0x1082;
	[sflag:s4] =	ssyncset.s32 $0xFFFFF086  }
0x25: {  	[simem:s6], [sflag:s4] =	dma.local [hbm:s3], $0xF7A  }
0x26: {  	[smem:$0x3F9E] =	sst s1;
	(tag) =	ssettag s2;
	_ =	strace s9  }
0x27: {  	s1 =	sld [smem:$0x3FAE]  }
0x28: {  	s2 =	sld [smem:$0x3FAF]  }
0x29: {  	s4 =	sld [smem:$0x3FB1]  }
0x2a: {  	p0 =	seq.s32 s5, $0x0;
	s5 =	sld [smem:$0x3FB2]  }
0x2b: {  	s6 =	sld [smem:$0x3FB3]  }
0x2c: {  	s7 =	sld [smem:$0x3FB4]  }
0x2d: {  	s3 =	simm.s32 $0x108;
	s8 =	sld [smem:$0x3FB5]  }
0x2e: {  	s3 =	simm.s32 @!p0 $0x1082;
	s9 =	sld [smem:$0x3FB6]  }
0x2f: {  	lr =	sadd.s32 s0, s3;
	s0 =	sld [smem:$0x3FAD]  }
0x30: {  	s3 =	sld [smem:$0x3FB0]  }
0x31: {  	[smem:$0x3FB9] =	sst s10  }
0x32: {  	s10 =	sld [smem:$0x3FB7];
	_ =	sdelay $0x3  }
0x33: {  	p0 =	seq.s32 s10, $0x1;
	s10 =	sld [smem:$0x3FB9];
	_ =	sdelay $0x3  }
0x34: {  	[smem:$0x3FB9] =	sst s10  }
0x35: {  	s10 =	sld [smem:$0x3FB8];
	_ =	sdelay $0x3  }
0x36: {  	p1 =	seq.s32 s10, $0x1;
	s10 =	sld [smem:$0x3FB9];
	_ =	sdelay $0x3  }
0x37: {  	[smem:$0x3FB9] =	sst s10  }
0x38: {  	s10 =	sld [smem:$0x3FBA]  }
0x39: {  	_ = 	snop;
	(pc) =	sbr.ind lr, $3  }
0x3a: {  	_ = 	snop  }
0x3b: {  	_ = 	snop  }
0x3c: {  	p2 =	seq.s32 s10, $0x1;
	s10 =	sld [smem:$0x3FB9]  }
0x3d: {  	_ =	shalt  }
0x3e: {  	_ =	shalt  }
0x3f: {  	_ =	shalt  }
0x40: {  	_ =	shalt  }
0x41: {  	_ =	shalt  }
0x42: {  	_ =	shalt  }
0x43: {  	_ =	shalt  }
0x44: {  	_ =	shalt  }
0x45: {  	_ =	shalt  }
0x46: {  	_ =	shalt  }
0x47: {  	_ =	shalt  }
0x48: {  	_ =	shalt  }
0x49: {  	_ =	shalt  }
0x4a: {  	_ =	shalt  }
0x4b: {  	_ =	shalt  }
0x4c: {  	_ =	shalt  }
0x4d: {  	_ =	shalt  }
0x4e: {  	_ =	shalt  }
0x4f: {  	_ =	shalt  }
0x50: {  	_ =	shalt  }
0x51: {  	_ =	shalt  }
0x52: {  	_ =	shalt  }
0x53: {  	_ =	shalt  }
0x54: {  	_ =	shalt  }
0x55: {  	_ =	shalt  }
0x56: {  	_ =	shalt  }
0x57: {  	_ =	shalt  }
0x58: {  	_ =	shalt  }
0x59: {  	_ =	shalt  }
0x5a: {  	_ =	shalt  }
0x5b: {  	_ =	shalt  }
0x5c: {  	_ =	shalt  }
0x5d: {  	_ =	shalt  }
0x5e: {  	_ =	shalt  }
0x5f: {  	_ =	shalt  }
0x60: {  	_ =	shalt  }
0x61: {  	_ =	shalt  }
0x62: {  	_ =	shalt  }
0x63: {  	_ =	shalt  }
0x64: {  	_ =	shalt  }
0x65: {  	_ =	shalt  }
0x66: {  	_ =	shalt  }
0x67: {  	_ =	shalt  }
0x68: {  	_ =	shalt  }
0x69: {  	_ =	shalt  }
0x6a: {  	_ =	shalt  }
0x6b: {  	_ =	shalt  }
0x6c: {  	_ =	shalt  }
0x6d: {  	_ =	shalt  }
0x6e: {  	_ =	shalt  }
0x6f: {  	_ =	shalt  }
0x70: {  	_ =	shalt  }
0x71: {  	_ =	shalt  }
0x72: {  	_ =	shalt  }
0x73: {  	_ =	shalt  }
0x74: {  	_ =	shalt  }
0x75: {  	_ =	shalt  }
0x76: {  	_ =	shalt  }
0x77: {  	_ =	shalt  }
0x78: {  	_ =	shalt  }
0x79: {  	_ =	shalt  }
0x7a: {  	_ =	shalt  }
0x7b: {  	_ =	shalt  }
0x7c: {  	_ =	shalt  }
0x7d: {  	_ =	shalt  }
0x7e: {  	_ =	shalt  }
0x7f: {  	_ =	shalt  }
0x80: {  	_ =	shalt  }
0x81: {  	_ =	shalt  }
0x82: {  	_ =	shalt  }
0x83: {  	_ =	shalt  }
0x84: {  	_ =	shalt  }
0x85: {  	_ =	shalt  }
0x86: {  	_ =	shalt  }
0x87: {  	_ =	shalt  }
.Lfunc_end0:
.L_simem_size_0:
called_computation.2_lowered:
.L_overlay_start_0:
0x88: {  	s2 =	sld [smem:$0x3FD9]  }
0x89: {  	s3 =	sld [smem:$0x3FFE];
	_ =	sdelay $0x1  }
0x8a: {  	s1 =	srdreg.scid  }
0x8b: {  	s0 =	sand.u32 $0x1, s1  }
0x8c: {  	s14 =	sshll.u32 s0, $0xA;
	s2 =	sadd.s32 s3, s2  }
0x8d: {  	s2 =	sadd.s32 s2, s14  }
0x8e: {  	[smem:$0x3FC5] =	sst s2  }
0x8f: {  	_ = 	snop  }
0x90: {  	s2 =	sld [smem:$0x3FD0];
	_ =	sdelay $0x2  }
0x91: {  	s15 =	simm.s32 $0xA;
	s4 =	simm.s32 $0x10  }
0x92: {  	[smem:s4], [sflag:s15] =	dma.local [hbm:s2], $0x1  }
0x93: {  	_ =	swait.eq [sflag:s15], $0x1  }
0x94: {  	s16 =	sld [smem:$0x10];
	[sflag:s15] =	ssyncset.done $0x0  }
0x95: {  	s17 =	sld [smem:$0x11];
	[sflag:s15] =	ssyncadd.s32 $0xFFFFFFFF  }
0x96: {  	s18 =	sld [smem:$0x12];
	(tm) =	ssettm $0x1  }
0x97: {  	s5 =	sld [smem:$0x3FFB];
	_ =	sdelay $0x3  }
0x98: {  	_ =	strace s5  }
0x99: {  	s5 =	sld [smem:$0x3FFC];
	_ =	sdelay $0x3  }
0x9a: {  	_ =	strace s5  }
0x9b: {  	s5 =	sld [smem:$0x3FFD];
	_ =	sdelay $0x3  }
0x9c: {  	_ =	strace s5  }
0x9d: {  	_ =	strace $0x8FFFFFFF  }
0x9e: {  	s19 =	sld [smem:$0x3FDB];
	_ =	sdelay $0x1  }
0x9f: {  	s6 =	simm.s32 $_scs_section_size  }
0xa0: {  	s7 =	simm.s32 $_size__tile_overlayer_lowered;
	s8 =	simm.s32 $_tile_overlayer_lowered  }
0xa1: {  	s22 =	simm.s32 $0x1BFF;
	s21 =	sshll.u32 s8, $0x1;
	s5 =	sadd.s32 s6, s19  }
0xa2: {  	s9 =	simm.s32 $0x0;
	s20 =	sshll.u32 s7, $0x1;
	s7 =	sadd.s32 s21, s5  }
0xa3: {  	[timem:s9], [sflag:s22] =	dma.local [hbm:s7], s20  }
0xa4: {  	_ =	swait.ge [sflag:s22], s20  }
0xa5: {  	s6 =	ssub.s32 $0x0, s20;
	[sflag:s22] =	ssyncset.done $0x0  }
0xa6: {  	[sflag:s22] =	ssyncadd.s32 s6;
	_ =	sdelay $0x1  }
0xa7: {  	s23 =	simm.s32 $0x1B8B  }
0xa8: {  	_ =	swait.ge [sflag:s23], $0x1  }
0xa9: {  	[sflag:s23] =	ssyncset.done $0x0  }
0xaa: {  	s25 =	simm.s32 $0x1B8E;
	s24 =	sld [smem:$0x3FFE];
	[sflag:s23] =	ssyncadd.s32 $0xFFFFFFFF  }
0xab: {  	s26 =	simm.s32 $execute0_lowered;
	[smem:$0x3FD2] =	sst s25  }
0xac: {  	s7 =	sshll.u32 s26, $0x1;
	_ =	strace $0x8000004C;
	[dreg:$0x1] =	wrdreg $0xFFFFFFFF  }
0xad: {  	s28 =	simm.s32 $_size_execute0_lowered;
	s5 =	sadd.s32 s5, s7;
	[dreg:$0x0] =	wrdreg $0x0  }
0xae: {  	s7 =	sshll.u32 s28, $0x1;
	[dreg:$0x2] =	wrdreg s5  }
0xaf: {  	[dreg:$0x3] =	wrdreg s7  }
0xb0: {  	[dreg:$0x4] =	wrdreg $0xC0  }
0xb1: {  	_ =	task [dreg:s9], $0x5FFFF  }
0xb2: {  	[dreg:$0x1] =	wrdreg $0xFFFFFFFF  }
0xb3: {  	[dreg:$0x0] =	wrdreg $0x60  }
0xb4: {  	[dreg:$0x2] =	wrdreg s24  }
0xb5: {  	[dreg:$0x3] =	wrdreg s18  }
0xb6: {  	[dreg:$0x4] =	wrdreg s16  }
0xb7: {  	[dreg:$0x5] =	wrdreg s17  }
0xb8: {  	[dreg:$0x6] =	wrdreg $0x9  }
0xb9: {  	_ =	task.clear_ibuf [dreg:s9], $0x7FFFF;
	_ =	strace $0x9000004C  }
0xba: {  	s29 =	simm.s32 $0x9;
	_ =	strace $0x8000004E  }
0xbb: {  	_ =	swait.ge [sflag:s29], $0x1  }
0xbc: {  	[sflag:s29] =	ssyncadd.s32 $0xFFFFFFFF  }
0xbd: {  	_ =	strace $0x9000004E  }
0xbe: {  	_ =	sfence  }
0xbf: {  	s30 =	sld [smem:$0x0];
	_ =	sdelay $0x2  }
0xc0: {  	s31 =	sshll.u32 s1, $0xD;
	s1 =	sshrl.u32 s1, $0x2  }
0xc1: {  	s3 =	sand.u32 $0x4000, s31;
	s1 =	sadd.s32 s1, s30  }
0xc2: {  	s0 =	sor.u32 s3, s0;
	s1 =	sshll.u32 s1, $0x11  }
0xc3: {  	s0 =	sor.u32 s1, s0  }
0xc4: {  	s0 =	sadd.s32 $0x8F2B, s0  }
0xc5: {  	[sflag:s0] =	ssyncadd.remote.s32 $0x1  }
0xc6: {  	_ =	sfence.sel $0xFFFF  }
0xc7: {  	[dreg:$0x0] =	wrdreg $0xFFFFFFFF;
	(pc) =	sbr.abs _section_cstart, $3  }
0xc8: {  	[dreg:$0x1] =	wrdreg $0xFFFFFFFF  }
0xc9: {  	_ =	task.clear_ibuf [dreg:s9], $0x2FFFF;
	_ =	strace $0x9FFFFFFF  }
0xca: {  	(tm) =	ssettm $0x7FFFFFFF  }
0xcb: {  	_ =	shalt  }
tec
execute0_lowered:
.L_overlay_start_1:
0x0: {  	(tag) =	ssettag $0x1  }
0x1: {  	s8 =	rddreg [dreg:$0x0]  }
0x2: {  	s3 =	rddreg [dreg:$0x1];
	s1 =	srdreg.scid  }
0x3: {  	s10 =	rddreg [dreg:$0x2];
	s0 =	stileid.u32;
	s11 =	sand.u32 $0x1, s1  }
0x4: {  	s12 =	rddreg [dreg:$0x3];
	s4 =	sshll.u32 s0, $0xA;
	s5 =	sshll.u32 s11, $0x9  }
0x5: {  	s2 =	simm.s32 $0x0;
	s1 =	rddreg [dreg:$0x4];
	s13 =	sor.u32 s5, s4  }
0x6: {  	[smem:$0x7FF] =	sst s2;
	s4 =	sshrl.u32 s13, $0x3  }
0x7: {  	_ =	strace $0x8000004D;
	s4 =	sadd.s32 s3, s4;
	s3 =	simm.s32 $0x2  }
0x8: {  	[tilespmem:s2], [sflag:$0x2] =	stream.linear.gather [hbm4b:s4+s2], $0x200, $0x38;
	[tilespmem:$0x8200] =	vst v63  }
0x9: {  	_ =	swait.ge [sflag:s3], $0x200  }
0xa: {  	s6 =	simm.s32 $0x200;
	[sflag:s3] =	ssyncset.done $0x0  }
0xb: {  	s7 =	simm.s32 $0x1;
	s5 =	sadd.s32 $0x61C200, s8;
	[sflag:s3] =	ssyncadd.s32 $0xFFFFFE00  }
0xc: {  	[tilespmem:s6], [sflag:$0x1] =	stream.indirect.gather [hbm4b:s5+s6], $0x20, s2, s6, $0xb8;
	[tilespmem:$0x8200] =	vst v63  }
0xd: {  	_ =	swait.ge [sflag:s7], $0x4000  }
0xe: {  	s9 =	simm.s32 $0x4200;
	[sflag:s7] =	ssyncset.done $0x0  }
0xf: {  	s11 =	ssub.s32 $0x2, s11;
	s8 =	sadd.s32 $0x6DF800, s8;
	[sflag:s7] =	ssyncadd.s32 $0xFFFFC000  }
0x10: {  	[tilespmem:s9], [sflag:$0x1] =	stream.indirect.gather [hbm4b:s8+s6], $0x20, s2, s6, $0xb8;
	[tilespmem:$0x8200] =	vst v63  }
0x11: {  	s14 =	sshrl.u32 s11, $0x1;
	_ =	swait.ge [sflag:s7], $0x4000  }
0x12: {  	s13 =	sshll.u32 s13, $0x2;
	s14 =	ssub.s32 s11, s14;
	[sflag:s7] =	ssyncset.done $0x0  }
0x13: {  	s10 =	sadd.s32 s10, s13;
	s31 =	smax.u32 s14, $0x1;
	[sflag:s7] =	ssyncadd.s32 $0xFFFFC000  }
0x14: {  	[hbm4b:s10+s2] =	stream.linear.scatter [tilespmem:s6], [sflag:$0x2], $0x4000, $0x38;
	[tilespmem:$0x8200] =	vst v63  }
0x15: {  	p0 =	sne.s32 s31, $0x1;
	_ =	swait.ge [sflag:s3], $0x4000  }
.Ltmp0:
0x16: {  	[sflag:s3] =	ssyncset.done $0x0;
	(pc) =	sbr.rel @!p0 .LBB2_2-.Ltmp0, $4  }
0x17: {  	s11 =	sadd.s32 s12, s13;
	[sflag:s3] =	ssyncadd.s32 $0xFFFFC000  }
0x18: {  	[hbm4b:s11+s2] =	stream.linear.scatter [tilespmem:s9], [sflag:$0x2], $0x4000, $0x38;
	[tilespmem:$0x8200] =	vst v63  }
0x19: {  	_ =	swait.ge [sflag:s3], $0x4000  }
0x1a: {  	s12 =	sadd.s32 $0xFFFFFFFF, s31;
	[sflag:s3] =	ssyncset.done $0x0  }
.LBB2_1:
0x1b: {  	p0 =	sne.s32 s12, $0x1;
	s12 =	sadd.s32 $0xFFFFFFFF, s12;
	[sflag:s3] =	ssyncadd.s32 $0xFFFFC000  }
0x1c: {  	[tilespmem:s2], [sflag:$0x2] =	stream.linear.gather [hbm4b:s4+s2], $0x200, $0x38;
	[tilespmem:$0x8200] =	vst v63  }
0x1d: {  	_ =	swait.ge [sflag:s3], $0x200  }
0x1e: {  	[sflag:s3] =	ssyncset.done $0x0  }
0x1f: {  	[sflag:s3] =	ssyncadd.s32 $0xFFFFFE00  }
0x20: {  	[tilespmem:s6], [sflag:$0x1] =	stream.indirect.gather [hbm4b:s5+s6], $0x20, s2, s6, $0xb8;
	[tilespmem:$0x8200] =	vst v63  }
0x21: {  	_ =	swait.ge [sflag:s7], $0x4000  }
0x22: {  	[sflag:s7] =	ssyncset.done $0x0  }
0x23: {  	[sflag:s7] =	ssyncadd.s32 $0xFFFFC000  }
0x24: {  	[tilespmem:s9], [sflag:$0x1] =	stream.indirect.gather [hbm4b:s8+s6], $0x20, s2, s6, $0xb8;
	[tilespmem:$0x8200] =	vst v63  }
0x25: {  	_ =	swait.ge [sflag:s7], $0x4000  }
0x26: {  	[sflag:s7] =	ssyncset.done $0x0  }
0x27: {  	[sflag:s7] =	ssyncadd.s32 $0xFFFFC000  }
0x28: {  	[hbm4b:s10+s2] =	stream.linear.scatter [tilespmem:s6], [sflag:$0x2], $0x4000, $0x38;
	[tilespmem:$0x8200] =	vst v63  }
0x29: {  	_ =	swait.ge [sflag:s3], $0x4000  }
.Ltmp1:
0x2a: {  	[sflag:s3] =	ssyncset.done $0x0;
	(pc) =	sbr.rel @p0 .LBB2_1-.Ltmp1, $4  }
0x2b: {  	[sflag:s3] =	ssyncadd.s32 $0xFFFFC000  }
0x2c: {  	[hbm4b:s11+s2] =	stream.linear.scatter [tilespmem:s9], [sflag:$0x2], $0x4000, $0x38;
	[tilespmem:$0x8200] =	vst v63  }
0x2d: {  	_ =	swait.ge [sflag:s3], $0x4000  }
0x2e: {  	[sflag:s3] =	ssyncset.done $0x0  }
.LBB2_2:
0x2f: {  	[sflag:s3] =	ssyncadd.s32 $0xFFFFC000  }
0x30: {  	_ =	sfence.sel $0x180000  }
0x31: {  	[bflag:$0x0] =	sbarrier.arrive $0xFFFF  }
0x32: {  	p0 =	sne.s32 s0, $0x0;
	_ =	strace $0x9000004D  }
0x33: {  	s0 =	sadd.s32 @!p0 $0x100000, s1;
	[bflag:$0x2] =	sbarrier.arrive $0xFFFF  }
0x34: {  	[sflag:s0] =	ssyncadd.tile.s32 @!p0 $0x1;
	_ =	shalt  }
.Lfunc_end2:
_tile_overlayer_lowered:
.L_overlay_start_2:
0x35: {  	(tag) =	ssettag $0x2  }
0x36: {  	s0 =	rddreg [dreg:$0x0];
	s2 =	stileid.u32  }
0x37: {  	s1 =	rddreg [dreg:$0x1];
	p0 =	sne.s32 s2, $0x0  }
0x38: {  	s3 =	rddreg [dreg:$0x2];
	[bflag:$0x3] =	sbarrier.arrive $0xFFFF;
	s2 =	simm.s32 @!p0 $0x1C02  }
0x39: {  	[timem:s3], [sflag:s2] =	dma.local @!p0 [hbm:s0], s1  }
0x3a: {  	s0 =	simm.s32 @!p0 $0x2  }
0x3b: {  	_ =	swait.ge @!p0 [sflag:s0], s1  }
0x3c: {  	s1 =	ssub.s32 @!p0 $0x0, s1;
	[sflag:s0] =	ssyncset.done @!p0 $0x0  }
0x3d: {  	[sflag:s0] =	ssyncadd.s32 @!p0 s1  }
0x3e: {  	[bflag:$0x3] =	sbarrier.arrive $0xFFFF  }
0x3f: {  	_ =	shalt  }

// kernel: sparse-core-data-format-call.cloned.1.call-start
scs
called_computation_lowered:
.L_overlay_start_0:
0x0: {  	s1 =	sld [smem:$0x3FD9]  }
0x1: {  	s2 =	sld [smem:$0x3FFE];
	_ =	sdelay $0x1  }
0x2: {  	s3 =	srdreg.scid  }
0x3: {  	s0 =	sand.u32 $0x1, s3  }
0x4: {  	s17 =	sshll.u32 s0, $0xA;
	s1 =	sadd.s32 s2, s1  }
0x5: {  	s1 =	sadd.s32 s1, s17  }
0x6: {  	[smem:$0x3FC5] =	sst s1  }
0x7: {  	_ = 	snop  }
0x8: {  	(tm) =	ssettm $0x1  }
0x9: {  	s18 =	sld [smem:$0x3FFB];
	_ =	sdelay $0x3  }
0xa: {  	_ =	strace s18  }
0xb: {  	s1 =	sld [smem:$0x3FFC];
	_ =	sdelay $0x3  }
0xc: {  	_ =	strace s1  }
0xd: {  	s1 =	sld [smem:$0x3FFD];
	_ =	sdelay $0x3  }
0xe: {  	_ =	strace s1  }
0xf: {  	_ =	strace $0x8FFFFFFF  }
0x10: {  	s19 =	sld [smem:$0x3FDB];
	_ =	sdelay $0x1  }
0x11: {  	s20 =	simm.s32 $_scs_section_size  }
0x12: {  	s4 =	simm.s32 $_size__tile_overlayer_lowered;
	s5 =	simm.s32 $_tile_overlayer_lowered  }
0x13: {  	s23 =	simm.s32 $0x1BFF;
	s22 =	sshll.u32 s5, $0x1;
	s1 =	sadd.s32 s20, s19  }
0x14: {  	s6 =	simm.s32 $0x0;
	s21 =	sshll.u32 s4, $0x1;
	s4 =	sadd.s32 s22, s1  }
0x15: {  	[timem:s6], [sflag:s23] =	dma.local [hbm:s4], s21  }
0x16: {  	_ =	swait.ge [sflag:s23], s21  }
0x17: {  	s2 =	ssub.s32 $0x0, s21;
	[sflag:s23] =	ssyncset.done $0x0  }
0x18: {  	[sflag:s23] =	ssyncadd.s32 s2;
	_ =	sdelay $0x1  }
0x19: {  	s24 =	simm.s32 $0x1B8B  }
0x1a: {  	_ =	swait.ge [sflag:s24], $0x1  }
0x1b: {  	[sflag:s24] =	ssyncset.done $0x0  }
0x1c: {  	s26 =	simm.s32 $0x1B8E;
	s25 =	sld [smem:$0x3FFE];
	[sflag:s24] =	ssyncadd.s32 $0xFFFFFFFF  }
0x1d: {  	s27 =	simm.s32 $execute0_lowered;
	[smem:$0x3FD2] =	sst s26  }
0x1e: {  	s4 =	sshll.u32 s27, $0x1;
	_ =	strace $0x80000046;
	[dreg:$0x1] =	wrdreg $0xFFFFFFFF  }
0x1f: {  	s28 =	simm.s32 $_size_execute0_lowered;
	s1 =	sadd.s32 s1, s4;
	[dreg:$0x0] =	wrdreg $0x0  }
0x20: {  	s4 =	sshll.u32 s28, $0x1;
	[dreg:$0x2] =	wrdreg s1  }
0x21: {  	[dreg:$0x3] =	wrdreg s4  }
0x22: {  	[dreg:$0x4] =	wrdreg $0xC0  }
0x23: {  	_ =	task [dreg:s6], $0x5FFFF  }
0x24: {  	[dreg:$0x1] =	wrdreg $0xFFFFFFFF  }
0x25: {  	[dreg:$0x0] =	wrdreg $0x60  }
0x26: {  	[dreg:$0x2] =	wrdreg s25  }
0x27: {  	[dreg:$0x3] =	wrdreg $0x9  }
0x28: {  	_ =	task.clear_ibuf [dreg:s6], $0x4FFFF;
	_ =	strace $0x90000046  }
0x29: {  	s29 =	simm.s32 $0x9;
	_ =	strace $0x80000048  }
0x2a: {  	_ =	swait.ge [sflag:s29], $0x1  }
0x2b: {  	[sflag:s29] =	ssyncadd.s32 $0xFFFFFFFF  }
0x2c: {  	_ =	strace $0x90000048  }
0x2d: {  	_ =	sfence  }
0x2e: {  	s30 =	sld [smem:$0x0];
	_ =	sdelay $0x2  }
0x2f: {  	s31 =	sshll.u32 s3, $0xD;
	s3 =	sshrl.u32 s3, $0x2  }
0x30: {  	s2 =	sand.u32 $0x4000, s31;
	s1 =	sadd.s32 s3, s30  }
0x31: {  	s0 =	sor.u32 s2, s0;
	s1 =	sshll.u32 s1, $0x11  }
0x32: {  	s0 =	sor.u32 s1, s0  }
0x33: {  	s0 =	sadd.s32 $0x8F2B, s0  }
0x34: {  	[sflag:s0] =	ssyncadd.remote.s32 $0x1  }
0x35: {  	_ =	sfence.sel $0xFFFF  }
0x36: {  	[dreg:$0x0] =	wrdreg $0xFFFFFFFF;
	(pc) =	sbr.abs _section_cstart, $3  }
0x37: {  	[dreg:$0x1] =	wrdreg $0xFFFFFFFF  }
0x38: {  	_ =	task.clear_ibuf [dreg:s6], $0x2FFFF;
	_ =	strace $0x9FFFFFFF  }
0x39: {  	(tm) =	ssettm $0x7FFFFFFF  }
tec
execute0_lowered:
.L_overlay_start_1:
0x0: {  	(tag) =	ssettag $0x1  }
0x1: {  	s1 =	rddreg [dreg:$0x0]  }
0x2: {  	s0 =	rddreg [dreg:$0x1]  }
0x3: {  	_ =	strace $0x80000047;
	s4 =	srdreg.scid;
	s6 =	simm.s32 $0x2  }
.Ltmp0:
0x4: {  	p0 =	por $0x0, $0x0;
	s9 =	simm.s32 $0x0;
	(pc) =	sbr.rel .LBB1_1-.Ltmp0, $4  }
0x5: {  	s2 =	sadd.s32 $0x61C200, s1;
	s3 =	sadd.s32 $0x93C200, s1;
	s5 =	sshll.u32 s4, $0x4  }
0x6: {  	s1 =	stileid.u32;
	s4 =	simm.s32 $0x1;
	s5 =	sand.u32 $0x10, s5  }
0x7: {  	s7 =	simm.s32 $0x0;
	[sflag:s4] =	ssyncpa.u1 $0x0;
	s5 =	sor.u32 s1, s5  }
0x8: {  	[sflag:s6] =	ssyncpa.u1 $0x0;
	s6 =	simm.s32 $0x0;
	s8 =	smov.u32 s5  }
.LBB1_7:
0x9: {  	s11 =	sadd.s32 $0x20, s8  }
0xa: {  	p1 =	slt.u32 s7, $0x2;
	s7 =	sadd.s32 $0x1, s7;
	p2 =	sgt.s32 s11, $0x63F  }
0xb: {  	s11 =	smov.u32 @p2 s5;
	p2 =	sne.s32 s7, $0x34  }
.Ltmp1:
0xc: {  	_ = 	snop;
	(pc) =	sbr.rel @!p2 .LBB1_8-.Ltmp1, $4  }
0xd: {  	s10 =	simm.s32 @!p1 $0x2  }
0xe: {  	_ =	swait.ge @!p1 [sflag:s10], $0x4000  }
0xf: {  	s9 =	smov.u32 s8;
	[sflag:s10] =	ssyncset.done @!p1 $0x0  }
0x10: {  	p0 =	por !p0, !p0;
	s8 =	smov.u32 s11;
	[sflag:s10] =	ssyncadd.s32 @!p1 $0xFFFFC000  }
.LBB1_1:
0x11: {  	p1 =	sgt.u32 s7, $0x31  }
0x12: {  	s10 =	sxor.u32 @!p1 $0xFFFFFFFF, s7  }
0x13: {  	s11 =	sshll.u32 @!p1 s8, $0xB;
	s10 =	sshll.u32 @!p1 s10, $0xE  }
0x14: {  	s12 =	simm.s32 @!p1 $0x0;
	s11 =	sadd.s32 @!p1 s2, s11;
	s10 =	sand.u32 @!p1 $0x4000, s10  }
0x15: {  	[tilespmem:s10], [sflag:$0x1] =	stream.linear.gather @!p1 [hbm4b:s11+s12], $0x4000, $0x38;
	[tilespmem:$0x10000] =	vst v63  }
0x16: {  	p1 =	seq.s32 s7, $0x0  }
0x17: {  	p2 =	seq.s32 @!p1 s7, $0x33  }
0x18: {  	p1 =	por p1, p2  }
.Ltmp2:
0x19: {  	_ = 	snop;
	(pc) =	sbr.rel @p1 .LBB1_7-.Ltmp2, $1  }
0x1a: {  	_ =	sdelay $0x3  }
0x1b: {  	s10 =	simm.s32 $0x1;
	_ =	swait.ge [sflag:s4], $0x4000;
	s12 =	sshll.u32 s7, $0xE  }
0x1c: {  	s13 =	simm.s32 $0x0;
	s10 =	simm.s32 @!p0 $0x0;
	[sflag:s4] =	ssyncset.done $0x0  }
0x1d: {  	s12 =	sand.u32 $0x4000, s12;
	s11 =	sshll.u32 s10, $0xE;
	[sflag:s4] =	ssyncadd.s32 $0xFFFFC000  }
0x1e: {  	s12 =	sor.u32 $0x8000, s12;
	s10 =	sor.u32 $0x8040, s11;
	s11 =	sor.u32 $0x40, s11  }
.LBB1_3:
0x1f: {  	v0 =	vmov s11;
	_ =	sdelay $0x3  }
0x20: {  	s15 =	simm.s32 $0x0  }
0x21: {  	v6 =	vld.idx.msk [tilespmem:v0+s15+$0x30 ss:$0x1], $0xffff  }
0x22: {  	v7 =	vld.idx.msk [tilespmem:v0+s15+$0xFFFFFFC0 ss:$0x1], $0xffff  }
0x23: {  	v5 =	vld.idx.msk [tilespmem:v0+s15+$0xFFFFFFD0 ss:$0x1], $0xffff  }
0x24: {  	v4 =	vld.idx.msk [tilespmem:v0+s15+$0xFFFFFFE0 ss:$0x1], $0xffff  }
0x25: {  	v3 =	vld.idx.msk [tilespmem:v0+s15+$0xFFFFFFF0 ss:$0x1], $0xffff  }
0x26: {  	v1 =	vld.idx.msk [tilespmem:v0+s15+$0x0 ss:$0x1], $0xffff  }
0x27: {  	v2 =	vld.idx.msk [tilespmem:v0+s15+$0x10 ss:$0x1], $0xffff;
	[tilespmem:s10+$0x30] =	vst v6  }
0x28: {  	s14 =	simm.s32 $0x80;
	s16 =	simm.s32 $0x400;
	[tilespmem:s10+$0xFFFFFFC0] =	vst v7;
	v6 =	vld.idx.msk [tilespmem:v0+s15+$0x20 ss:$0x1], $0xffff;
	s15 =	smov.u32 s10  }
.LBB1_4:
0x29: {  	p1 =	sne.s32 s16, $0xE00;
	v7 =	vld.idx.msk [tilespmem:v0+s14+$0x30 ss:$0x1], $0xffff;
	[tilespmem:s15+$0xFFFFFFD0] =	vst v5  }
0x2a: {  	v8 =	vld.idx.msk [tilespmem:v0+s14+$0xFFFFFFC0 ss:$0x1], $0xffff;
	[tilespmem:s15+$0xFFFFFFE0] =	vst v4  }
0x2b: {  	v5 =	vld.idx.msk [tilespmem:v0+s14+$0xFFFFFFD0 ss:$0x1], $0xffff;
	[tilespmem:s15+$0xFFFFFFF0] =	vst v3  }
.Ltmp3:
0x2c: {  	v4 =	vld.idx.msk [tilespmem:v0+s14+$0xFFFFFFE0 ss:$0x1], $0xffff;
	[tilespmem:s15+$0x0] =	vst v1;
	(pc) =	sbr.rel @p1 .LBB1_4-.Ltmp3, $4  }
0x2d: {  	v3 =	vld.idx.msk [tilespmem:v0+s14+$0xFFFFFFF0 ss:$0x1], $0xffff;
	[tilespmem:s15+$0x10] =	vst v2  }
0x2e: {  	v1 =	vld.idx.msk [tilespmem:v0+s14+$0x0 ss:$0x1], $0xffff;
	[tilespmem:s15+$0x20] =	vst v6;
	s15 =	sadd.s32 $0x800, s15  }
0x2f: {  	v2 =	vld.idx.msk [tilespmem:v0+s14+$0x10 ss:$0x1], $0xffff;
	[tilespmem:s15+$0x30] =	vst v7  }
0x30: {  	[tilespmem:s15+$0xFFFFFFC0] =	vst v8;
	v6 =	vld.idx.msk [tilespmem:v0+s14+$0x20 ss:$0x1], $0xffff;
	s14 =	sshra.s32 s16, $0x2;
	s16 =	sadd.s32 $0x200, s16  }
0x31: {  	_ =	sdelay $0x2  }
0x32: {  	[tilespmem:s15+$0xFFFFFFD0] =	vst v5  }
0x33: {  	v56 =	vld.idx.msk [tilespmem:v0+s14+$0x30 ss:$0x1], $0xffff;
	[tilespmem:s15+$0xFFFFFFE0] =	vst v4  }
0x34: {  	v57 =	vld.idx.msk [tilespmem:v0+s14+$0xFFFFFFC0 ss:$0x1], $0xffff;
	[tilespmem:s15+$0xFFFFFFF0] =	vst v3  }
0x35: {  	v58 =	vld.idx.msk [tilespmem:v0+s14+$0xFFFFFFD0 ss:$0x1], $0xffff;
	[tilespmem:s15+$0x0] =	vst v1  }
0x36: {  	v59 =	vld.idx.msk [tilespmem:v0+s14+$0xFFFFFFE0 ss:$0x1], $0xffff;
	[tilespmem:s15+$0x10] =	vst v2  }
0x37: {  	v60 =	vld.idx.msk [tilespmem:v0+s14+$0xFFFFFFF0 ss:$0x1], $0xffff;
	s31 =	sadd.s32 $0x800, s15;
	[tilespmem:s15+$0x20] =	vst v6  }
0x38: {  	v61 =	vld.idx.msk [tilespmem:v0+s14+$0x0 ss:$0x1], $0xffff;
	[tilespmem:s31+$0x30] =	vst v56  }
0x39: {  	v62 =	vld.idx.msk [tilespmem:v0+s14+$0x10 ss:$0x1], $0xffff;
	s13 =	sadd.s32 $0x1, s13;
	[tilespmem:s31+$0xFFFFFFC0] =	vst v57  }
0x3a: {  	v63 =	vld.idx.msk [tilespmem:v0+s14+$0x20 ss:$0x1], $0xffff;
	p1 =	sne.s32 s13, $0x10;
	[tilespmem:s31+$0xFFFFFFD0] =	vst v58  }
.Ltmp4:
0x3b: {  	[tilespmem:s31+$0xFFFFFFE0] =	vst v59;
	(pc) =	sbr.rel @p1 .LBB1_3-.Ltmp4, $4  }
0x3c: {  	[tilespmem:s31+$0xFFFFFFF0] =	vst v60  }
0x3d: {  	[tilespmem:s31+$0x0] =	vst v61  }
0x3e: {  	[tilespmem:s31+$0x10] =	vst v62  }
0x3f: {  	s10 =	sadd.s32 $0x80, s10;
	s11 =	sadd.s32 $0x400, s11;
	[tilespmem:s31+$0x20] =	vst v63  }
.Ltmp5:
0x40: {  	(pc) =	sbr.rel .LBB1_7-.Ltmp5, $4  }
0x41: {  	_ = 	snop  }
0x42: {  	s9 =	sshll.u32 s9, $0xB  }
0x43: {  	s9 =	sadd.s32 s3, s9  }
0x44: {  	[hbm4b:s9+s6] =	stream.linear.scatter [tilespmem:s12], [sflag:$0x2], $0x4000, $0x38;
	[tilespmem:$0x10000] =	vst v63  }
.LBB1_8:
0x45: {  	_ =	sfence.sel $0x180000  }
0x46: {  	s2 =	simm.s32 $0x1;
	[bflag:$0x0] =	sbarrier.arrive $0xFFFF  }
0x47: {  	s31 =	simm.s32 $0x2;
	[sflag:s2] =	ssyncpa.u1 $0x1  }
0x48: {  	[sflag:s31] =	ssyncpa.u1 $0x1  }
0x49: {  	p0 =	sne.s32 s1, $0x0;
	_ =	strace $0x90000047  }
0x4a: {  	s0 =	sadd.s32 @!p0 $0x100000, s0;
	[bflag:$0x2] =	sbarrier.arrive $0xFFFF  }
0x4b: {  	[sflag:s0] =	ssyncadd.tile.s32 @!p0 $0x1;
	_ =	shalt  }
.Lfunc_end1:
_tile_overlayer_lowered:
.L_overlay_start_2:
0x4c: {  	(tag) =	ssettag $0x2  }
0x4d: {  	s0 =	rddreg [dreg:$0x0];
	s2 =	stileid.u32  }
0x4e: {  	s1 =	rddreg [dreg:$0x1];
	p0 =	sne.s32 s2, $0x0  }
0x4f: {  	s3 =	rddreg [dreg:$0x2];
	[bflag:$0x3] =	sbarrier.arrive $0xFFFF;
	s2 =	simm.s32 @!p0 $0x1C01  }
0x50: {  	[timem:s3], [sflag:s2] =	dma.local @!p0 [hbm:s0], s1  }
0x51: {  	s0 =	simm.s32 @!p0 $0x1  }
0x52: {  	_ =	swait.ge @!p0 [sflag:s0], s1  }
0x53: {  	s1 =	ssub.s32 @!p0 $0x0, s1;
	[sflag:s0] =	ssyncset.done @!p0 $0x0  }
0x54: {  	[sflag:s0] =	ssyncadd.s32 @!p0 s1  }
0x55: {  	[bflag:$0x3] =	sbarrier.arrive $0xFFFF  }
0x56: {  	_ =	shalt  }

</sc_bundles>
